<compile_context>
chip_gen: v7x
topology: tpu7x:2x2x1
jax: 0.10.2.dev20260603
libtpu: 0.0.44.dev20260713+nightly
codegen_flags: <defaults>
</compile_context>

<pallas_src>
import functools

import jax
import jax.numpy as jnp
from jax.experimental import pallas as pl
from jax.experimental.pallas import tpu as pltpu

_N_MODELS = 8
_N_SPECIES = 4
_N_SHIFTS = 32
_AEV_DIM = _N_SPECIES * _N_SHIFTS
_H1 = 256
_H2 = 192
_MAX_DIM = 200
_RC = 5.2
_ETA = 19.7
_BLK = 8


def _aev_body(c_ref, oh_ref, aev_ref):
    c = c_ref[0]
    a = c.shape[1]
    ci = c[:, :, None]
    cj = c[:, None, :]
    d = ci - cj
    r2 = jnp.sum(d * d, axis=0)
    r = jnp.sqrt(r2 + 1e-12)
    ii = jax.lax.broadcasted_iota(jnp.int32, (a, a), 0)
    jj = jax.lax.broadcasted_iota(jnp.int32, (a, a), 1)
    valid = (ii != jj) & (r < _RC)
    fc = jnp.where(valid, 0.5 * jnp.cos(jnp.pi * r / _RC) + 0.5, 0.0)
    kk = jax.lax.broadcasted_iota(jnp.int32, (1, _N_SHIFTS, 1), 1).astype(jnp.float32)
    shifts = 0.8 + (5.1 - 0.8) / (_N_SHIFTS - 1) * kk
    t = r[:, None, :] - shifts
    g = 0.25 * jnp.exp(-_ETA * t * t) * fc[:, None, :]
    g2 = g.reshape(a * _N_SHIFTS, a)
    red = jax.lax.dot_general(
        g2, oh_ref[...],
        dimension_numbers=(((1,), (0,)), ((), ())),
        preferred_element_type=jnp.float32,
    )
    aev_ref[0] = red.reshape(a, _N_SHIFTS, _N_SPECIES)


def _mlp_body(spc_ref, gidx_ref, *refs):
    del spc_ref, gidx_ref
    xs = refs[:_BLK]
    w1_ref, b1_ref, w2_ref, b2_ref, out_ref = refs[_BLK:]
    x = jnp.concatenate([x[...] for x in xs], axis=1)
    s = x.shape[0]
    xr = x.reshape(s * _BLK, _AEV_DIM)
    out_ref[:, :, :, _H2:] = jnp.zeros(
        (s, _BLK, _N_MODELS, _MAX_DIM - _H2), jnp.float32
    )
    for m in range(_N_MODELS):
        h = jnp.dot(xr, w1_ref[m, 0], preferred_element_type=jnp.float32)
        h = h + b1_ref[0, m][None, :]
        h = jnp.where(h > 0, h, jnp.exp(h) - 1.0)
        h = jnp.dot(h, w2_ref[m, 0], preferred_element_type=jnp.float32)
        h = h + b2_ref[0, m][None, :]
        h = jnp.where(h > 0, h, jnp.exp(h) - 1.0)
        out_ref[:, :, m, :_H2] = h.reshape(s, _BLK, _H2)


def _x_index(jj, b, spc_ref, gidx_ref):
    del spc_ref
    return (0, gidx_ref[b * _BLK + jj], 0, 0)


def _w_index(b, spc_ref, gidx_ref):
    del gidx_ref
    return (0, spc_ref[b], 0, 0)


def _b_index(b, spc_ref, gidx_ref):
    del gidx_ref
    return (spc_ref[b], 0, 0)


def _out_index(b, spc_ref, gidx_ref):
    del spc_ref, gidx_ref
    return (0, b, 0, 0)


def kernel(species, coordinates, W1, b1, W2, b2):
    s, a = species.shape
    a_pad = ((a + (_N_SPECIES - 1) * (_BLK - 1)) + _BLK - 1) // _BLK * _BLK

    asp = species[0].astype(jnp.int32)
    order = jnp.argsort(asp, stable=True).astype(jnp.int32)
    eq = asp[None, :] == jnp.arange(_N_SPECIES, dtype=jnp.int32)[:, None]
    counts = jnp.sum(eq, axis=1).astype(jnp.int32)
    co = jnp.concatenate(
        [jnp.zeros((1,), jnp.int32), jnp.cumsum(counts)[:-1].astype(jnp.int32)]
    )
    pc = (counts + _BLK - 1) // _BLK * _BLK
    po = jnp.concatenate(
        [jnp.zeros((1,), jnp.int32), jnp.cumsum(pc)[:-1].astype(jnp.int32)]
    )
    po_end = jnp.cumsum(pc).astype(jnp.int32)
    tt = jnp.arange(a_pad, dtype=jnp.int32)
    grp = jnp.minimum(
        jnp.sum((tt[:, None] >= po_end[None, :]), axis=1).astype(jnp.int32),
        _N_SPECIES - 1,
    )
    last_ne = jnp.max(jnp.where(counts > 0, jnp.arange(_N_SPECIES, dtype=jnp.int32), -1))
    slot_sp = jnp.where(tt >= po_end[_N_SPECIES - 1], last_ne, grp)
    pos = jnp.minimum(tt - po[slot_sp], counts[slot_sp] - 1)
    gidx = order[jnp.clip(co[slot_sp] + pos, 0, a - 1)]
    spc_blk = slot_sp[::_BLK]

    ct = jnp.swapaxes(coordinates, 1, 2)
    oht = eq.T.astype(jnp.float32)
    aev_raw = pl.pallas_call(
        _aev_body,
        grid=(s,),
        in_specs=[
            pl.BlockSpec((1, 3, a), lambda i: (i, 0, 0)),
            pl.BlockSpec((a, _N_SPECIES), lambda i: (0, 0)),
        ],
        out_specs=pl.BlockSpec((1, a, _N_SHIFTS, _N_SPECIES), lambda i: (i, 0, 0, 0)),
        out_shape=jax.ShapeDtypeStruct((s, a, _N_SHIFTS, _N_SPECIES), jnp.float32),
    )(ct, oht)
    aev = aev_raw.reshape(s, a, _AEV_DIM)

    w1p = (
        W1.reshape(_N_MODELS, _N_SPECIES, _N_SPECIES, _N_SHIFTS, _H1)
        .transpose(0, 1, 3, 2, 4)
        .reshape(_N_MODELS, _N_SPECIES, _AEV_DIM, _H1)
    )

    nblk = a_pad // _BLK
    aev4 = aev.reshape(s, a, 1, _AEV_DIM)
    x_specs = [
        pl.BlockSpec((s, 1, 1, _AEV_DIM), functools.partial(_x_index, jj))
        for jj in range(_BLK)
    ]
    b1s = jnp.swapaxes(b1, 0, 1)
    b2s = jnp.swapaxes(b2, 0, 1)
    grid_spec = pltpu.PrefetchScalarGridSpec(
        num_scalar_prefetch=2,
        grid=(nblk,),
        in_specs=[
            *x_specs,
            pl.BlockSpec((_N_MODELS, 1, _AEV_DIM, _H1), _w_index),
            pl.BlockSpec((1, _N_MODELS, _H1), _b_index),
            pl.BlockSpec((_N_MODELS, 1, _H1, _H2), _w_index),
            pl.BlockSpec((1, _N_MODELS, _H2), _b_index),
        ],
        out_specs=pl.BlockSpec((s, _BLK, _N_MODELS, _MAX_DIM), _out_index),
    )
    y = pl.pallas_call(
        _mlp_body,
        grid_spec=grid_spec,
        out_shape=jax.ShapeDtypeStruct((s, a_pad, _N_MODELS, _MAX_DIM), jnp.float32),
    )(spc_blk, gidx, *([aev4] * _BLK), w1p, b1s, W2, b2s)

    inv = jnp.zeros((a,), jnp.int32).at[order].set(jnp.arange(a, dtype=jnp.int32))
    q_orig = (po[asp] + (inv - co[asp])).astype(jnp.int32)
    out = jnp.take(y, q_orig, axis=1)
    return species, out

# --- scband reference (transcript-rebuilt; emitter-appended) ---
"""Pipeline reference for scband-precomputation-59828894433320 (READ-ONLY COPY).

The authoritative reference and input builder live on the scoring server;
editing this copy changes nothing except your own understanding.
"""

import jax, jax.numpy as jnp
import numpy as np

N_MODELS = 8
N_SPECIES = 4
N_SHIFTS = 32
AEV_DIM = N_SPECIES * N_SHIFTS
H1 = 256
H2 = 192
MAX_DIM = 200
RC = 5.2
ETA = 19.7


def _aev(species, coordinates):
    S, A = species.shape
    diff = coordinates[:, :, None, :] - coordinates[:, None, :, :]
    r = jnp.sqrt(jnp.sum(diff * diff, axis=-1) + 1e-12)
    self_mask = jnp.eye(A, dtype=bool)[None, :, :]
    valid = (~self_mask) & (r < RC)
    fc = jnp.where(valid, 0.5 * jnp.cos(jnp.pi * r / RC) + 0.5, 0.0)
    shifts = jnp.linspace(0.8, 5.1, N_SHIFTS)
    g = 0.25 * jnp.exp(-ETA * (r[..., None] - shifts) ** 2) * fc[..., None]
    onehot = jax.nn.one_hot(species, N_SPECIES, dtype=g.dtype)
    aev = jnp.einsum('sijk,sje->siek', g, onehot)
    return aev.reshape(S, A, AEV_DIM)


def _forward(species, coordinates, W1, b1, W2, b2):
    S, A = species.shape
    aev = _aev(species, coordinates)
    atom_species = species[0]
    per_model = []
    for m in range(N_MODELS):
        out = jnp.zeros((S, A, MAX_DIM), dtype=aev.dtype)
        for e in range(N_SPECIES):
            h = jax.nn.celu(aev @ W1[m, e] + b1[m, e])
            h = jax.nn.celu(h @ W2[m, e] + b2[m, e])
            mask = (atom_species == e)[None, :, None]
            out = out.at[:, :, :H2].set(jnp.where(mask, h, out[:, :, :H2]))
        per_model.append(out)
    output = jnp.stack(per_model, axis=2)
    return output


def setup_inputs(seed: int = 0) -> dict:
    key = jax.random.key(seed)
    ks = jax.random.split(key, 8)
    S, A = 64, 128
    row = jax.random.randint(ks[0], (A,), 0, N_SPECIES)
    species = jnp.tile(row[None, :], (S, 1))
    coordinates = jax.random.uniform(ks[1], (S, A, 3), dtype=jnp.float32) * 12.0
    W1 = jax.random.normal(ks[2], (N_MODELS, N_SPECIES, AEV_DIM, H1), dtype=jnp.float32) * 0.05
    b1 = jnp.zeros((N_MODELS, N_SPECIES, H1), dtype=jnp.float32)
    W2 = jax.random.normal(ks[3], (N_MODELS, N_SPECIES, H1, H2), dtype=jnp.float32) * 0.05
    b2 = jnp.zeros((N_MODELS, N_SPECIES, H2), dtype=jnp.float32)
    return {"species": species, "coordinates": coordinates, "W1": W1, "b1": b1, "W2": W2, "b2": b2}


def reference(species, coordinates, W1, b1, W2, b2):
    output = _forward(species, coordinates, W1, b1, W2, b2)
    return species, output

if __name__ == "__main__":
    import jax
    _d = setup_inputs()
    print(jax.jit(kernel)(*tuple(_d.values())))

</pallas_src>

<mosaic_0001>
module attributes {stable_mosaic.version = 14 : i64} {
  func.func @_aev_body(%arg0: i32, %arg1: memref<1x3x128xf32, #tpu.memory_space<vmem>>, %arg2: memref<128x4xf32, #tpu.memory_space<vmem>>, %arg3: memref<1x128x32x4xf32, #tpu.memory_space<vmem>>) attributes {dimension_semantics = [#tpu.dimension_semantics<arbitrary>], iteration_bounds = array<i64: 64>, scalar_prefetch = 0 : i64, scratch_operands = 0 : i64, tpu.core_type = #tpu.core_type<tc>, window_params = [{transform_indices = @transform_0, window_bounds = array<i64: 1, 3, 128>}, {pipeline_mode = #tpu.pipeline_mode<synchronous>, transform_indices = @transform_1, window_bounds = array<i64: 128, 4>}, {transform_indices = @transform_2, window_bounds = array<i64: 1, 128, 32, 4>}]} {
    %get3A = arith.constant 0 : index
    %get3A_0 = arith.constant 0 : index
    %get3A_1 = arith.constant 0 : index
    %get3A_2 = vector.load %arg1[%get3A, %get3A_0, %get3A_1] : memref<1x3x128xf32, #tpu.memory_space<vmem>>, vector<1x3x128xf32>
    %get3A_3 = vector.shape_cast %get3A_2 : vector<1x3x128xf32> to vector<3x128xf32>
    %broadcast_in_dim3A = vector.shape_cast %get3A_3 : vector<3x128xf32> to vector<3x128x1xf32>
    %broadcast_in_dim3A_4 = vector.shape_cast %get3A_3 : vector<3x128xf32> to vector<3x1x128xf32>
    %sub3A = vector.broadcast %broadcast_in_dim3A : vector<3x128x1xf32> to vector<3x128x128xf32>
    %sub3A_5 = vector.broadcast %broadcast_in_dim3A_4 : vector<3x1x128xf32> to vector<3x128x128xf32>
    %sub3A_6 = arith.subf %sub3A, %sub3A_5 : vector<3x128x128xf32>
    %mul3A = arith.mulf %sub3A_6, %sub3A_6 : vector<3x128x128xf32>
    %reduce_sum3A = arith.constant dense<0.000000e+00> : vector<128x128xf32>
    %reduce_sum3A_7 = vector.multi_reduction <add>, %mul3A, %reduce_sum3A [0] : vector<3x128x128xf32> to vector<128x128xf32>
    %add3A = arith.constant 9.99999996E-13 : f32
    %add3A_8 = vector.broadcast %add3A : f32 to vector<128x128xf32>
    %add3A_9 = arith.addf %reduce_sum3A_7, %add3A_8 : vector<128x128xf32>
    %sqrt3A = math.sqrt %add3A_9 : vector<128x128xf32>
    %iota3A = tpu.iota {dimensions = array<i32: 0>} : vector<128x128xi32>
    %iota3A_10 = tpu.iota {dimensions = array<i32: 1>} : vector<128x128xi32>
    %ne3A = arith.cmpi ne, %iota3A, %iota3A_10 : vector<128x128xi32>
    %lt3A = arith.constant 5.200000e+00 : f32
    %lt3A_11 = vector.broadcast %lt3A : f32 to vector<128x128xf32>
    %lt3A_12 = arith.cmpf olt, %sqrt3A, %lt3A_11 : vector<128x128xf32>
    %and3A = arith.andi %ne3A, %lt3A_12 : vector<128x128xi1>
    %mul3A_13 = arith.constant 3.14159274 : f32
    %mul3A_14 = vector.broadcast %mul3A_13 : f32 to vector<128x128xf32>
    %mul3A_15 = arith.mulf %mul3A_14, %sqrt3A : vector<128x128xf32>
    %div3A = arith.constant 5.200000e+00 : f32
    %div3A_16 = vector.broadcast %div3A : f32 to vector<128x128xf32>
    %div3A_17 = arith.divf %mul3A_15, %div3A_16 : vector<128x128xf32>
    %cos3A = math.cos %div3A_17 : vector<128x128xf32>
    %mul3A_18 = arith.constant 5.000000e-01 : f32
    %mul3A_19 = vector.broadcast %mul3A_18 : f32 to vector<128x128xf32>
    %mul3A_20 = arith.mulf %mul3A_19, %cos3A : vector<128x128xf32>
    %add3A_21 = arith.constant 5.000000e-01 : f32
    %add3A_22 = vector.broadcast %add3A_21 : f32 to vector<128x128xf32>
    %add3A_23 = arith.addf %mul3A_20, %add3A_22 : vector<128x128xf32>
    %jit3A = arith.constant 0.000000e+00 : f32
    %broadcast_in_dim3A_24 = vector.broadcast %jit3A : f32 to vector<128x128xf32>
    %select_n3A = arith.select %and3A, %add3A_23, %broadcast_in_dim3A_24 : vector<128x128xi1>, vector<128x128xf32>
    %iota3A_25 = tpu.iota {dimensions = array<i32: 1>} : vector<1x32x1xi32>
    %convert_element_type3A = arith.sitofp %iota3A_25 : vector<1x32x1xi32> to vector<1x32x1xf32>
    %mul3A_26 = arith.constant 0.138709679 : f32
    %mul3A_27 = vector.broadcast %mul3A_26 : f32 to vector<1x32x1xf32>
    %mul3A_28 = arith.mulf %mul3A_27, %convert_element_type3A : vector<1x32x1xf32>
    %add3A_29 = arith.constant 8.000000e-01 : f32
    %add3A_30 = vector.broadcast %add3A_29 : f32 to vector<1x32x1xf32>
    %add3A_31 = arith.addf %add3A_30, %mul3A_28 : vector<1x32x1xf32>
    %broadcast_in_dim3A_32 = vector.shape_cast %sqrt3A : vector<128x128xf32> to vector<128x1x128xf32>
    %sub3A_33 = vector.broadcast %broadcast_in_dim3A_32 : vector<128x1x128xf32> to vector<128x32x128xf32>
    %sub3A_34 = vector.broadcast %add3A_31 : vector<1x32x1xf32> to vector<128x32x128xf32>
    %sub3A_35 = arith.subf %sub3A_33, %sub3A_34 : vector<128x32x128xf32>
    %mul3A_36 = arith.constant -1.970000e+01 : f32
    %mul3A_37 = vector.broadcast %mul3A_36 : f32 to vector<128x32x128xf32>
    %mul3A_38 = arith.mulf %mul3A_37, %sub3A_35 : vector<128x32x128xf32>
    %mul3A_39 = arith.mulf %mul3A_38, %sub3A_35 : vector<128x32x128xf32>
    %exp3A = math.exp %mul3A_39 : vector<128x32x128xf32>
    %mul3A_40 = arith.constant 2.500000e-01 : f32
    %mul3A_41 = vector.broadcast %mul3A_40 : f32 to vector<128x32x128xf32>
    %mul3A_42 = arith.mulf %mul3A_41, %exp3A : vector<128x32x128xf32>
    %broadcast_in_dim3A_43 = vector.shape_cast %select_n3A : vector<128x128xf32> to vector<128x1x128xf32>
    %mul3A_44 = vector.broadcast %broadcast_in_dim3A_43 : vector<128x1x128xf32> to vector<128x32x128xf32>
    %mul3A_45 = arith.mulf %mul3A_42, %mul3A_44 : vector<128x32x128xf32>
    %reshape3A = vector.shape_cast %mul3A_45 : vector<128x32x128xf32> to vector<4096x128xf32>
    %get3A_46 = arith.constant 0 : index
    %get3A_47 = arith.constant 0 : index
    %get3A_48 = vector.load %arg2[%get3A_46, %get3A_47] : memref<128x4xf32, #tpu.memory_space<vmem>>, vector<128x4xf32>
    %dot_general3A = arith.constant dense<0.000000e+00> : vector<4096x4xf32>
    %dot_general3A_49 = tpu.matmul %reshape3A, %get3A_48, %dot_general3A {dimension_numbers = #tpu.dot_dimension_numbers<[1], [0], [0], [1], [0, 0, 1, 1], [], []>, transpose_lhs_hint = false} : vector<4096x128xf32>, vector<128x4xf32>, vector<4096x4xf32> -> vector<4096x4xf32>
    %reshape3A_50 = vector.shape_cast %dot_general3A_49 : vector<4096x4xf32> to vector<128x32x4xf32>
    %swap3A = arith.constant 0 : index
    %swap3A_51 = arith.constant 0 : index
    %swap3A_52 = arith.constant 0 : index
    %swap3A_53 = arith.constant 0 : index
    %swap3A_54 = vector.load %arg3[%swap3A, %swap3A_51, %swap3A_52, %swap3A_53] : memref<1x128x32x4xf32, #tpu.memory_space<vmem>>, vector<1x128x32x4xf32>
    %swap3A_55 = vector.shape_cast %swap3A_54 : vector<1x128x32x4xf32> to vector<128x32x4xf32>
    %swap3A_56 = vector.shape_cast %reshape3A_50 : vector<128x32x4xf32> to vector<1x128x32x4xf32>
    tpu.vector_store %arg3[%swap3A, %swap3A_51, %swap3A_52, %swap3A_53], %swap3A_56 {strides = array<i32>} : memref<1x128x32x4xf32, #tpu.memory_space<vmem>>, vector<1x128x32x4xf32>,
    return
  }
  func.func @transform_0(%arg0: i32) -> (i32, i32, i32) {
    %c0_i32 = arith.constant 0 : i32
    %c0_i32_0 = arith.constant 0 : i32
    %c0_i32_1 = arith.constant 0 : i32
    return %arg0, %c0_i32, %c0_i32_0 : i32, i32, i32
  }
  func.func @transform_1(%arg0: i32) -> (i32, i32) {
    %c0_i32 = arith.constant 0 : i32
    %c0_i32_0 = arith.constant 0 : i32
    %c0_i32_1 = arith.constant 0 : i32
    return %c0_i32, %c0_i32_0 : i32, i32
  }
  func.func @transform_2(%arg0: i32) -> (i32, i32, i32, i32) {
    %c0_i32 = arith.constant 0 : i32
    %c0_i32_0 = arith.constant 0 : i32
    %c0_i32_1 = arith.constant 0 : i32
    %c0_i32_2 = arith.constant 0 : i32
    return %arg0, %c0_i32, %c0_i32_0, %c0_i32_1 : i32, i32, i32, i32
  }
}

module attributes {stable_mosaic.version = 14 : i64} {
  func.func @_mlp_body(%arg0: i32, %arg1: memref<19xi32, #tpu.memory_space<smem>>, %arg2: memref<152xi32, #tpu.memory_space<smem>>, %arg3: memref<64x1x1x128xf32, #tpu.memory_space<vmem>>, %arg4: memref<64x1x1x128xf32, #tpu.memory_space<vmem>>, %arg5: memref<64x1x1x128xf32, #tpu.memory_space<vmem>>, %arg6: memref<64x1x1x128xf32, #tpu.memory_space<vmem>>, %arg7: memref<64x1x1x128xf32, #tpu.memory_space<vmem>>, %arg8: memref<64x1x1x128xf32, #tpu.memory_space<vmem>>, %arg9: memref<64x1x1x128xf32, #tpu.memory_space<vmem>>, %arg10: memref<64x1x1x128xf32, #tpu.memory_space<vmem>>, %arg11: memref<8x1x128x256xf32, #tpu.memory_space<vmem>>, %arg12: memref<1x8x256xf32, #tpu.memory_space<vmem>>, %arg13: memref<8x1x256x192xf32, #tpu.memory_space<vmem>>, %arg14: memref<1x8x192xf32, #tpu.memory_space<vmem>>, %arg15: memref<64x8x8x200xf32, #tpu.memory_space<vmem>>) attributes {dimension_semantics = [#tpu.dimension_semantics<arbitrary>], iteration_bounds = array<i64: 19>, scalar_prefetch = 2 : i64, scratch_operands = 0 : i64, tpu.core_type = #tpu.core_type<tc>, window_params = [{transform_indices = @transform_0, window_bounds = array<i64: 64, 1, 1, 128>}, {transform_indices = @transform_1, window_bounds = array<i64: 64, 1, 1, 128>}, {transform_indices = @transform_2, window_bounds = array<i64: 64, 1, 1, 128>}, {transform_indices = @transform_3, window_bounds = array<i64: 64, 1, 1, 128>}, {transform_indices = @transform_4, window_bounds = array<i64: 64, 1, 1, 128>}, {transform_indices = @transform_5, window_bounds = array<i64: 64, 1, 1, 128>}, {transform_indices = @transform_6, window_bounds = array<i64: 64, 1, 1, 128>}, {transform_indices = @transform_7, window_bounds = array<i64: 64, 1, 1, 128>}, {transform_indices = @transform_8, window_bounds = array<i64: 8, 1, 128, 256>}, {transform_indices = @transform_9, window_bounds = array<i64: 1, 8, 256>}, {transform_indices = @transform_10, window_bounds = array<i64: 8, 1, 256, 192>}, {transform_indices = @transform_11, window_bounds = array<i64: 1, 8, 192>}, {transform_indices = @transform_12, window_bounds = array<i64: 64, 8, 8, 200>}]} {
    %get3A = arith.constant 0 : index
    %get3A_0 = arith.constant 0 : index
    %get3A_1 = arith.constant 0 : index
    %get3A_2 = arith.constant 0 : index
    %get3A_3 = vector.load %arg3[%get3A, %get3A_0, %get3A_1, %get3A_2] : memref<64x1x1x128xf32, #tpu.memory_space<vmem>>, vector<64x1x1x128xf32>
    %get3A_4 = arith.constant 0 : index
    %get3A_5 = arith.constant 0 : index
    %get3A_6 = arith.constant 0 : index
    %get3A_7 = arith.constant 0 : index
    %get3A_8 = vector.load %arg4[%get3A_4, %get3A_5, %get3A_6, %get3A_7] : memref<64x1x1x128xf32, #tpu.memory_space<vmem>>, vector<64x1x1x128xf32>
    %get3A_9 = arith.constant 0 : index
    %get3A_10 = arith.constant 0 : index
    %get3A_11 = arith.constant 0 : index
    %get3A_12 = arith.constant 0 : index
    %get3A_13 = vector.load %arg5[%get3A_9, %get3A_10, %get3A_11, %get3A_12] : memref<64x1x1x128xf32, #tpu.memory_space<vmem>>, vector<64x1x1x128xf32>
    %get3A_14 = arith.constant 0 : index
    %get3A_15 = arith.constant 0 : index
    %get3A_16 = arith.constant 0 : index
    %get3A_17 = arith.constant 0 : index
    %get3A_18 = vector.load %arg6[%get3A_14, %get3A_15, %get3A_16, %get3A_17] : memref<64x1x1x128xf32, #tpu.memory_space<vmem>>, vector<64x1x1x128xf32>
    %get3A_19 = arith.constant 0 : index
    %get3A_20 = arith.constant 0 : index
    %get3A_21 = arith.constant 0 : index
    %get3A_22 = arith.constant 0 : index
    %get3A_23 = vector.load %arg7[%get3A_19, %get3A_20, %get3A_21, %get3A_22] : memref<64x1x1x128xf32, #tpu.memory_space<vmem>>, vector<64x1x1x128xf32>
    %get3A_24 = arith.constant 0 : index
    %get3A_25 = arith.constant 0 : index
    %get3A_26 = arith.constant 0 : index
    %get3A_27 = arith.constant 0 : index
    %get3A_28 = vector.load %arg8[%get3A_24, %get3A_25, %get3A_26, %get3A_27] : memref<64x1x1x128xf32, #tpu.memory_space<vmem>>, vector<64x1x1x128xf32>
    %get3A_29 = arith.constant 0 : index
    %get3A_30 = arith.constant 0 : index
    %get3A_31 = arith.constant 0 : index
    %get3A_32 = arith.constant 0 : index
    %get3A_33 = vector.load %arg9[%get3A_29, %get3A_30, %get3A_31, %get3A_32] : memref<64x1x1x128xf32, #tpu.memory_space<vmem>>, vector<64x1x1x128xf32>
    %get3A_34 = arith.constant 0 : index
    %get3A_35 = arith.constant 0 : index
    %get3A_36 = arith.constant 0 : index
    %get3A_37 = arith.constant 0 : index
    %get3A_38 = vector.load %arg10[%get3A_34, %get3A_35, %get3A_36, %get3A_37] : memref<64x1x1x128xf32, #tpu.memory_space<vmem>>, vector<64x1x1x128xf32>
    %concatenate3A = tpu.concatenate %get3A_3, %get3A_8, %get3A_13, %get3A_18, %get3A_23, %get3A_28, %get3A_33, %get3A_38 in 1 : vector<64x1x1x128xf32>, vector<64x1x1x128xf32>, vector<64x1x1x128xf32>, vector<64x1x1x128xf32>, vector<64x1x1x128xf32>, vector<64x1x1x128xf32>, vector<64x1x1x128xf32>, vector<64x1x1x128xf32> -> vector<64x8x1x128xf32>
    %reshape3A = vector.shape_cast %concatenate3A : vector<64x8x1x128xf32> to vector<512x128xf32>
    %broadcast_in_dim3A = arith.constant 0.000000e+00 : f32
    %broadcast_in_dim3A_39 = vector.broadcast %broadcast_in_dim3A : f32 to vector<64x8x8x8xf32>
    %swap3A = arith.constant 0 : index
    %swap3A_40 = arith.constant 0 : index
    %swap3A_41 = arith.constant 0 : index
    %swap3A_42 = arith.constant 192 : index
    %swap3A_43 = vector.load %arg15[%swap3A, %swap3A_40, %swap3A_41, %swap3A_42] : memref<64x8x8x200xf32, #tpu.memory_space<vmem>>, vector<64x8x8x8xf32>
    tpu.vector_store %arg15[%swap3A, %swap3A_40, %swap3A_41, %swap3A_42], %broadcast_in_dim3A_39 {strides = array<i32>} : memref<64x8x8x200xf32, #tpu.memory_space<vmem>>, vector<64x8x8x8xf32>,
    %get3A_44 = arith.constant 0 : index
    %get3A_45 = arith.constant 0 : index
    %get3A_46 = arith.constant 0 : index
    %get3A_47 = arith.constant 0 : index
    %get3A_48 = vector.load %arg11[%get3A_44, %get3A_45, %get3A_46, %get3A_47] : memref<8x1x128x256xf32, #tpu.memory_space<vmem>>, vector<1x1x128x256xf32>
    %get3A_49 = vector.shape_cast %get3A_48 : vector<1x1x128x256xf32> to vector<128x256xf32>
    %dot_general3A = arith.constant dense<0.000000e+00> : vector<512x256xf32>
    %dot_general3A_50 = tpu.matmul %reshape3A, %get3A_49, %dot_general3A {dimension_numbers = #tpu.dot_dimension_numbers<[1], [0], [0], [1], [0, 0, 1, 1], [], []>, transpose_lhs_hint = false} : vector<512x128xf32>, vector<128x256xf32>, vector<512x256xf32> -> vector<512x256xf32>
    %get3A_51 = arith.constant 0 : index
    %get3A_52 = arith.constant 0 : index
    %get3A_53 = arith.constant 0 : index
    %get3A_54 = vector.load %arg12[%get3A_51, %get3A_52, %get3A_53] : memref<1x8x256xf32, #tpu.memory_space<vmem>>, vector<1x1x256xf32>
    %get3A_55 = vector.shape_cast %get3A_54 : vector<1x1x256xf32> to vector<256xf32>
    %broadcast_in_dim3A_56 = vector.shape_cast %get3A_55 : vector<256xf32> to vector<1x256xf32>
    %add3A = vector.broadcast %broadcast_in_dim3A_56 : vector<1x256xf32> to vector<512x256xf32>
    %add3A_57 = arith.addf %dot_general3A_50, %add3A : vector<512x256xf32>
    %gt3A = arith.constant 0.000000e+00 : f32
    %gt3A_58 = vector.broadcast %gt3A : f32 to vector<512x256xf32>
    %gt3A_59 = arith.cmpf ogt, %add3A_57, %gt3A_58 : vector<512x256xf32>
    %exp3A = math.exp %add3A_57 : vector<512x256xf32>
    %sub3A = arith.constant 1.000000e+00 : f32
    %sub3A_60 = vector.broadcast %sub3A : f32 to vector<512x256xf32>
    %sub3A_61 = arith.subf %exp3A, %sub3A_60 : vector<512x256xf32>
    %select_n3A = arith.select %gt3A_59, %add3A_57, %sub3A_61 : vector<512x256xi1>, vector<512x256xf32>
    %get3A_62 = arith.constant 0 : index
    %get3A_63 = arith.constant 0 : index
    %get3A_64 = arith.constant 0 : index
    %get3A_65 = arith.constant 0 : index
    %get3A_66 = vector.load %arg13[%get3A_62, %get3A_63, %get3A_64, %get3A_65] : memref<8x1x256x192xf32, #tpu.memory_space<vmem>>, vector<1x1x256x192xf32>
    %get3A_67 = vector.shape_cast %get3A_66 : vector<1x1x256x192xf32> to vector<256x192xf32>
    %dot_general3A_68 = arith.constant dense<0.000000e+00> : vector<512x192xf32>
    %dot_general3A_69 = tpu.matmul %select_n3A, %get3A_67, %dot_general3A_68 {dimension_numbers = #tpu.dot_dimension_numbers<[1], [0], [0], [1], [0, 0, 1, 1], [], []>, transpose_lhs_hint = false} : vector<512x256xf32>, vector<256x192xf32>, vector<512x192xf32> -> vector<512x192xf32>
    %get3A_70 = arith.constant 0 : index
    %get3A_71 = arith.constant 0 : index
    %get3A_72 = arith.constant 0 : index
    %get3A_73 = vector.load %arg14[%get3A_70, %get3A_71, %get3A_72] : memref<1x8x192xf32, #tpu.memory_space<vmem>>, vector<1x1x192xf32>
    %get3A_74 = vector.shape_cast %get3A_73 : vector<1x1x192xf32> to vector<192xf32>
    %broadcast_in_dim3A_75 = vector.shape_cast %get3A_74 : vector<192xf32> to vector<1x192xf32>
    %add3A_76 = vector.broadcast %broadcast_in_dim3A_75 : vector<1x192xf32> to vector<512x192xf32>
    %add3A_77 = arith.addf %dot_general3A_69, %add3A_76 : vector<512x192xf32>
    %gt3A_78 = arith.constant 0.000000e+00 : f32
    %gt3A_79 = vector.broadcast %gt3A_78 : f32 to vector<512x192xf32>
    %gt3A_80 = arith.cmpf ogt, %add3A_77, %gt3A_79 : vector<512x192xf32>
    %exp3A_81 = math.exp %add3A_77 : vector<512x192xf32>
    %sub3A_82 = arith.constant 1.000000e+00 : f32
    %sub3A_83 = vector.broadcast %sub3A_82 : f32 to vector<512x192xf32>
    %sub3A_84 = arith.subf %exp3A_81, %sub3A_83 : vector<512x192xf32>
    %select_n3A_85 = arith.select %gt3A_80, %add3A_77, %sub3A_84 : vector<512x192xi1>, vector<512x192xf32>
    %reshape3A_86 = vector.shape_cast %select_n3A_85 : vector<512x192xf32> to vector<64x8x192xf32>
    %swap3A_87 = arith.constant 0 : index
    %swap3A_88 = arith.constant 0 : index
    %swap3A_89 = arith.constant 0 : index
    %swap3A_90 = arith.constant 0 : index
    %swap3A_91 = vector.load %arg15[%swap3A_87, %swap3A_88, %swap3A_89, %swap3A_90] : memref<64x8x8x200xf32, #tpu.memory_space<vmem>>, vector<64x8x1x192xf32>
    %swap3A_92 = vector.shape_cast %swap3A_91 : vector<64x8x1x192xf32> to vector<64x8x192xf32>
    %swap3A_93 = vector.shape_cast %reshape3A_86 : vector<64x8x192xf32> to vector<64x8x1x192xf32>
    tpu.vector_store %arg15[%swap3A_87, %swap3A_88, %swap3A_89, %swap3A_90], %swap3A_93 {strides = array<i32>} : memref<64x8x8x200xf32, #tpu.memory_space<vmem>>, vector<64x8x1x192xf32>,
    %get3A_94 = arith.constant 1 : index
    %get3A_95 = arith.constant 0 : index
    %get3A_96 = arith.constant 0 : index
    %get3A_97 = arith.constant 0 : index
    %get3A_98 = vector.load %arg11[%get3A_94, %get3A_95, %get3A_96, %get3A_97] : memref<8x1x128x256xf32, #tpu.memory_space<vmem>>, vector<1x1x128x256xf32>
    %get3A_99 = vector.shape_cast %get3A_98 : vector<1x1x128x256xf32> to vector<128x256xf32>
    %dot_general3A_100 = arith.constant dense<0.000000e+00> : vector<512x256xf32>
    %dot_general3A_101 = tpu.matmul %reshape3A, %get3A_99, %dot_general3A_100 {dimension_numbers = #tpu.dot_dimension_numbers<[1], [0], [0], [1], [0, 0, 1, 1], [], []>, transpose_lhs_hint = false} : vector<512x128xf32>, vector<128x256xf32>, vector<512x256xf32> -> vector<512x256xf32>
    %get3A_102 = arith.constant 0 : index
    %get3A_103 = arith.constant 1 : index
    %get3A_104 = arith.constant 0 : index
    %get3A_105 = vector.load %arg12[%get3A_102, %get3A_103, %get3A_104] : memref<1x8x256xf32, #tpu.memory_space<vmem>>, vector<1x1x256xf32>
    %get3A_106 = vector.shape_cast %get3A_105 : vector<1x1x256xf32> to vector<256xf32>
    %broadcast_in_dim3A_107 = vector.shape_cast %get3A_106 : vector<256xf32> to vector<1x256xf32>
    %add3A_108 = vector.broadcast %broadcast_in_dim3A_107 : vector<1x256xf32> to vector<512x256xf32>
    %add3A_109 = arith.addf %dot_general3A_101, %add3A_108 : vector<512x256xf32>
    %gt3A_110 = arith.constant 0.000000e+00 : f32
    %gt3A_111 = vector.broadcast %gt3A_110 : f32 to vector<512x256xf32>
    %gt3A_112 = arith.cmpf ogt, %add3A_109, %gt3A_111 : vector<512x256xf32>
    %exp3A_113 = math.exp %add3A_109 : vector<512x256xf32>
    %sub3A_114 = arith.constant 1.000000e+00 : f32
    %sub3A_115 = vector.broadcast %sub3A_114 : f32 to vector<512x256xf32>
    %sub3A_116 = arith.subf %exp3A_113, %sub3A_115 : vector<512x256xf32>
    %select_n3A_117 = arith.select %gt3A_112, %add3A_109, %sub3A_116 : vector<512x256xi1>, vector<512x256xf32>
    %get3A_118 = arith.constant 1 : index
    %get3A_119 = arith.constant 0 : index
    %get3A_120 = arith.constant 0 : index
    %get3A_121 = arith.constant 0 : index
    %get3A_122 = vector.load %arg13[%get3A_118, %get3A_119, %get3A_120, %get3A_121] : memref<8x1x256x192xf32, #tpu.memory_space<vmem>>, vector<1x1x256x192xf32>
    %get3A_123 = vector.shape_cast %get3A_122 : vector<1x1x256x192xf32> to vector<256x192xf32>
    %dot_general3A_124 = arith.constant dense<0.000000e+00> : vector<512x192xf32>
    %dot_general3A_125 = tpu.matmul %select_n3A_117, %get3A_123, %dot_general3A_124 {dimension_numbers = #tpu.dot_dimension_numbers<[1], [0], [0], [1], [0, 0, 1, 1], [], []>, transpose_lhs_hint = false} : vector<512x256xf32>, vector<256x192xf32>, vector<512x192xf32> -> vector<512x192xf32>
    %get3A_126 = arith.constant 0 : index
    %get3A_127 = arith.constant 1 : index
    %get3A_128 = arith.constant 0 : index
    %get3A_129 = vector.load %arg14[%get3A_126, %get3A_127, %get3A_128] : memref<1x8x192xf32, #tpu.memory_space<vmem>>, vector<1x1x192xf32>
    %get3A_130 = vector.shape_cast %get3A_129 : vector<1x1x192xf32> to vector<192xf32>
    %broadcast_in_dim3A_131 = vector.shape_cast %get3A_130 : vector<192xf32> to vector<1x192xf32>
    %add3A_132 = vector.broadcast %broadcast_in_dim3A_131 : vector<1x192xf32> to vector<512x192xf32>
    %add3A_133 = arith.addf %dot_general3A_125, %add3A_132 : vector<512x192xf32>
    %gt3A_134 = arith.constant 0.000000e+00 : f32
    %gt3A_135 = vector.broadcast %gt3A_134 : f32 to vector<512x192xf32>
    %gt3A_136 = arith.cmpf ogt, %add3A_133, %gt3A_135 : vector<512x192xf32>
    %exp3A_137 = math.exp %add3A_133 : vector<512x192xf32>
    %sub3A_138 = arith.constant 1.000000e+00 : f32
    %sub3A_139 = vector.broadcast %sub3A_138 : f32 to vector<512x192xf32>
    %sub3A_140 = arith.subf %exp3A_137, %sub3A_139 : vector<512x192xf32>
    %select_n3A_141 = arith.select %gt3A_136, %add3A_133, %sub3A_140 : vector<512x192xi1>, vector<512x192xf32>
    %reshape3A_142 = vector.shape_cast %select_n3A_141 : vector<512x192xf32> to vector<64x8x192xf32>
    %swap3A_143 = arith.constant 0 : index
    %swap3A_144 = arith.constant 0 : index
    %swap3A_145 = arith.constant 1 : index
    %swap3A_146 = arith.constant 0 : index
    %swap3A_147 = vector.load %arg15[%swap3A_143, %swap3A_144, %swap3A_145, %swap3A_146] : memref<64x8x8x200xf32, #tpu.memory_space<vmem>>, vector<64x8x1x192xf32>
    %swap3A_148 = vector.shape_cast %swap3A_147 : vector<64x8x1x192xf32> to vector<64x8x192xf32>
    %swap3A_149 = vector.shape_cast %reshape3A_142 : vector<64x8x192xf32> to vector<64x8x1x192xf32>
    tpu.vector_store %arg15[%swap3A_143, %swap3A_144, %swap3A_145, %swap3A_146], %swap3A_149 {strides = array<i32>} : memref<64x8x8x200xf32, #tpu.memory_space<vmem>>, vector<64x8x1x192xf32>,
    %get3A_150 = arith.constant 2 : index
    %get3A_151 = arith.constant 0 : index
    %get3A_152 = arith.constant 0 : index
    %get3A_153 = arith.constant 0 : index
    %get3A_154 = vector.load %arg11[%get3A_150, %get3A_151, %get3A_152, %get3A_153] : memref<8x1x128x256xf32, #tpu.memory_space<vmem>>, vector<1x1x128x256xf32>
    %get3A_155 = vector.shape_cast %get3A_154 : vector<1x1x128x256xf32> to vector<128x256xf32>
    %dot_general3A_156 = arith.constant dense<0.000000e+00> : vector<512x256xf32>
    %dot_general3A_157 = tpu.matmul %reshape3A, %get3A_155, %dot_general3A_156 {dimension_numbers = #tpu.dot_dimension_numbers<[1], [0], [0], [1], [0, 0, 1, 1], [], []>, transpose_lhs_hint = false} : vector<512x128xf32>, vector<128x256xf32>, vector<512x256xf32> -> vector<512x256xf32>
    %get3A_158 = arith.constant 0 : index
    %get3A_159 = arith.constant 2 : index
    %get3A_160 = arith.constant 0 : index
    %get3A_161 = vector.load %arg12[%get3A_158, %get3A_159, %get3A_160] : memref<1x8x256xf32, #tpu.memory_space<vmem>>, vector<1x1x256xf32>
    %get3A_162 = vector.shape_cast %get3A_161 : vector<1x1x256xf32> to vector<256xf32>
    %broadcast_in_dim3A_163 = vector.shape_cast %get3A_162 : vector<256xf32> to vector<1x256xf32>
    %add3A_164 = vector.broadcast %broadcast_in_dim3A_163 : vector<1x256xf32> to vector<512x256xf32>
    %add3A_165 = arith.addf %dot_general3A_157, %add3A_164 : vector<512x256xf32>
    %gt3A_166 = arith.constant 0.000000e+00 : f32
    %gt3A_167 = vector.broadcast %gt3A_166 : f32 to vector<512x256xf32>
    %gt3A_168 = arith.cmpf ogt, %add3A_165, %gt3A_167 : vector<512x256xf32>
    %exp3A_169 = math.exp %add3A_165 : vector<512x256xf32>
    %sub3A_170 = arith.constant 1.000000e+00 : f32
    %sub3A_171 = vector.broadcast %sub3A_170 : f32 to vector<512x256xf32>
    %sub3A_172 = arith.subf %exp3A_169, %sub3A_171 : vector<512x256xf32>
    %select_n3A_173 = arith.select %gt3A_168, %add3A_165, %sub3A_172 : vector<512x256xi1>, vector<512x256xf32>
    %get3A_174 = arith.constant 2 : index
    %get3A_175 = arith.constant 0 : index
    %get3A_176 = arith.constant 0 : index
    %get3A_177 = arith.constant 0 : index
    %get3A_178 = vector.load %arg13[%get3A_174, %get3A_175, %get3A_176, %get3A_177] : memref<8x1x256x192xf32, #tpu.memory_space<vmem>>, vector<1x1x256x192xf32>
    %get3A_179 = vector.shape_cast %get3A_178 : vector<1x1x256x192xf32> to vector<256x192xf32>
    %dot_general3A_180 = arith.constant dense<0.000000e+00> : vector<512x192xf32>
    %dot_general3A_181 = tpu.matmul %select_n3A_173, %get3A_179, %dot_general3A_180 {dimension_numbers = #tpu.dot_dimension_numbers<[1], [0], [0], [1], [0, 0, 1, 1], [], []>, transpose_lhs_hint = false} : vector<512x256xf32>, vector<256x192xf32>, vector<512x192xf32> -> vector<512x192xf32>
    %get3A_182 = arith.constant 0 : index
    %get3A_183 = arith.constant 2 : index
    %get3A_184 = arith.constant 0 : index
    %get3A_185 = vector.load %arg14[%get3A_182, %get3A_183, %get3A_184] : memref<1x8x192xf32, #tpu.memory_space<vmem>>, vector<1x1x192xf32>
    %get3A_186 = vector.shape_cast %get3A_185 : vector<1x1x192xf32> to vector<192xf32>
    %broadcast_in_dim3A_187 = vector.shape_cast %get3A_186 : vector<192xf32> to vector<1x192xf32>
    %add3A_188 = vector.broadcast %broadcast_in_dim3A_187 : vector<1x192xf32> to vector<512x192xf32>
    %add3A_189 = arith.addf %dot_general3A_181, %add3A_188 : vector<512x192xf32>
    %gt3A_190 = arith.constant 0.000000e+00 : f32
    %gt3A_191 = vector.broadcast %gt3A_190 : f32 to vector<512x192xf32>
    %gt3A_192 = arith.cmpf ogt, %add3A_189, %gt3A_191 : vector<512x192xf32>
    %exp3A_193 = math.exp %add3A_189 : vector<512x192xf32>
    %sub3A_194 = arith.constant 1.000000e+00 : f32
    %sub3A_195 = vector.broadcast %sub3A_194 : f32 to vector<512x192xf32>
    %sub3A_196 = arith.subf %exp3A_193, %sub3A_195 : vector<512x192xf32>
    %select_n3A_197 = arith.select %gt3A_192, %add3A_189, %sub3A_196 : vector<512x192xi1>, vector<512x192xf32>
    %reshape3A_198 = vector.shape_cast %select_n3A_197 : vector<512x192xf32> to vector<64x8x192xf32>
    %swap3A_199 = arith.constant 0 : index
    %swap3A_200 = arith.constant 0 : index
    %swap3A_201 = arith.constant 2 : index
    %swap3A_202 = arith.constant 0 : index
    %swap3A_203 = vector.load %arg15[%swap3A_199, %swap3A_200, %swap3A_201, %swap3A_202] : memref<64x8x8x200xf32, #tpu.memory_space<vmem>>, vector<64x8x1x192xf32>
    %swap3A_204 = vector.shape_cast %swap3A_203 : vector<64x8x1x192xf32> to vector<64x8x192xf32>
    %swap3A_205 = vector.shape_cast %reshape3A_198 : vector<64x8x192xf32> to vector<64x8x1x192xf32>
    tpu.vector_store %arg15[%swap3A_199, %swap3A_200, %swap3A_201, %swap3A_202], %swap3A_205 {strides = array<i32>} : memref<64x8x8x200xf32, #tpu.memory_space<vmem>>, vector<64x8x1x192xf32>,
    %get3A_206 = arith.constant 3 : index
    %get3A_207 = arith.constant 0 : index
    %get3A_208 = arith.constant 0 : index
    %get3A_209 = arith.constant 0 : index
    %get3A_210 = vector.load %arg11[%get3A_206, %get3A_207, %get3A_208, %get3A_209] : memref<8x1x128x256xf32, #tpu.memory_space<vmem>>, vector<1x1x128x256xf32>
    %get3A_211 = vector.shape_cast %get3A_210 : vector<1x1x128x256xf32> to vector<128x256xf32>
    %dot_general3A_212 = arith.constant dense<0.000000e+00> : vector<512x256xf32>
    %dot_general3A_213 = tpu.matmul %reshape3A, %get3A_211, %dot_general3A_212 {dimension_numbers = #tpu.dot_dimension_numbers<[1], [0], [0], [1], [0, 0, 1, 1], [], []>, transpose_lhs_hint = false} : vector<512x128xf32>, vector<128x256xf32>, vector<512x256xf32> -> vector<512x256xf32>
    %get3A_214 = arith.constant 0 : index
    %get3A_215 = arith.constant 3 : index
    %get3A_216 = arith.constant 0 : index
    %get3A_217 = vector.load %arg12[%get3A_214, %get3A_215, %get3A_216] : memref<1x8x256xf32, #tpu.memory_space<vmem>>, vector<1x1x256xf32>
    %get3A_218 = vector.shape_cast %get3A_217 : vector<1x1x256xf32> to vector<256xf32>
    %broadcast_in_dim3A_219 = vector.shape_cast %get3A_218 : vector<256xf32> to vector<1x256xf32>
    %add3A_220 = vector.broadcast %broadcast_in_dim3A_219 : vector<1x256xf32> to vector<512x256xf32>
    %add3A_221 = arith.addf %dot_general3A_213, %add3A_220 : vector<512x256xf32>
    %gt3A_222 = arith.constant 0.000000e+00 : f32
    %gt3A_223 = vector.broadcast %gt3A_222 : f32 to vector<512x256xf32>
    %gt3A_224 = arith.cmpf ogt, %add3A_221, %gt3A_223 : vector<512x256xf32>
    %exp3A_225 = math.exp %add3A_221 : vector<512x256xf32>
    %sub3A_226 = arith.constant 1.000000e+00 : f32
    %sub3A_227 = vector.broadcast %sub3A_226 : f32 to vector<512x256xf32>
    %sub3A_228 = arith.subf %exp3A_225, %sub3A_227 : vector<512x256xf32>
    %select_n3A_229 = arith.select %gt3A_224, %add3A_221, %sub3A_228 : vector<512x256xi1>, vector<512x256xf32>
    %get3A_230 = arith.constant 3 : index
    %get3A_231 = arith.constant 0 : index
    %get3A_232 = arith.constant 0 : index
    %get3A_233 = arith.constant 0 : index
    %get3A_234 = vector.load %arg13[%get3A_230, %get3A_231, %get3A_232, %get3A_233] : memref<8x1x256x192xf32, #tpu.memory_space<vmem>>, vector<1x1x256x192xf32>
    %get3A_235 = vector.shape_cast %get3A_234 : vector<1x1x256x192xf32> to vector<256x192xf32>
    %dot_general3A_236 = arith.constant dense<0.000000e+00> : vector<512x192xf32>
    %dot_general3A_237 = tpu.matmul %select_n3A_229, %get3A_235, %dot_general3A_236 {dimension_numbers = #tpu.dot_dimension_numbers<[1], [0], [0], [1], [0, 0, 1, 1], [], []>, transpose_lhs_hint = false} : vector<512x256xf32>, vector<256x192xf32>, vector<512x192xf32> -> vector<512x192xf32>
    %get3A_238 = arith.constant 0 : index
    %get3A_239 = arith.constant 3 : index
    %get3A_240 = arith.constant 0 : index
    %get3A_241 = vector.load %arg14[%get3A_238, %get3A_239, %get3A_240] : memref<1x8x192xf32, #tpu.memory_space<vmem>>, vector<1x1x192xf32>
    %get3A_242 = vector.shape_cast %get3A_241 : vector<1x1x192xf32> to vector<192xf32>
    %broadcast_in_dim3A_243 = vector.shape_cast %get3A_242 : vector<192xf32> to vector<1x192xf32>
    %add3A_244 = vector.broadcast %broadcast_in_dim3A_243 : vector<1x192xf32> to vector<512x192xf32>
    %add3A_245 = arith.addf %dot_general3A_237, %add3A_244 : vector<512x192xf32>
    %gt3A_246 = arith.constant 0.000000e+00 : f32
    %gt3A_247 = vector.broadcast %gt3A_246 : f32 to vector<512x192xf32>
    %gt3A_248 = arith.cmpf ogt, %add3A_245, %gt3A_247 : vector<512x192xf32>
    %exp3A_249 = math.exp %add3A_245 : vector<512x192xf32>
    %sub3A_250 = arith.constant 1.000000e+00 : f32
    %sub3A_251 = vector.broadcast %sub3A_250 : f32 to vector<512x192xf32>
    %sub3A_252 = arith.subf %exp3A_249, %sub3A_251 : vector<512x192xf32>
    %select_n3A_253 = arith.select %gt3A_248, %add3A_245, %sub3A_252 : vector<512x192xi1>, vector<512x192xf32>
    %reshape3A_254 = vector.shape_cast %select_n3A_253 : vector<512x192xf32> to vector<64x8x192xf32>
    %swap3A_255 = arith.constant 0 : index
    %swap3A_256 = arith.constant 0 : index
    %swap3A_257 = arith.constant 3 : index
    %swap3A_258 = arith.constant 0 : index
    %swap3A_259 = vector.load %arg15[%swap3A_255, %swap3A_256, %swap3A_257, %swap3A_258] : memref<64x8x8x200xf32, #tpu.memory_space<vmem>>, vector<64x8x1x192xf32>
    %swap3A_260 = vector.shape_cast %swap3A_259 : vector<64x8x1x192xf32> to vector<64x8x192xf32>
    %swap3A_261 = vector.shape_cast %reshape3A_254 : vector<64x8x192xf32> to vector<64x8x1x192xf32>
    tpu.vector_store %arg15[%swap3A_255, %swap3A_256, %swap3A_257, %swap3A_258], %swap3A_261 {strides = array<i32>} : memref<64x8x8x200xf32, #tpu.memory_space<vmem>>, vector<64x8x1x192xf32>,
    %get3A_262 = arith.constant 4 : index
    %get3A_263 = arith.constant 0 : index
    %get3A_264 = arith.constant 0 : index
    %get3A_265 = arith.constant 0 : index
    %get3A_266 = vector.load %arg11[%get3A_262, %get3A_263, %get3A_264, %get3A_265] : memref<8x1x128x256xf32, #tpu.memory_space<vmem>>, vector<1x1x128x256xf32>
    %get3A_267 = vector.shape_cast %get3A_266 : vector<1x1x128x256xf32> to vector<128x256xf32>
    %dot_general3A_268 = arith.constant dense<0.000000e+00> : vector<512x256xf32>
    %dot_general3A_269 = tpu.matmul %reshape3A, %get3A_267, %dot_general3A_268 {dimension_numbers = #tpu.dot_dimension_numbers<[1], [0], [0], [1], [0, 0, 1, 1], [], []>, transpose_lhs_hint = false} : vector<512x128xf32>, vector<128x256xf32>, vector<512x256xf32> -> vector<512x256xf32>
    %get3A_270 = arith.constant 0 : index
    %get3A_271 = arith.constant 4 : index
    %get3A_272 = arith.constant 0 : index
    %get3A_273 = vector.load %arg12[%get3A_270, %get3A_271, %get3A_272] : memref<1x8x256xf32, #tpu.memory_space<vmem>>, vector<1x1x256xf32>
    %get3A_274 = vector.shape_cast %get3A_273 : vector<1x1x256xf32> to vector<256xf32>
    %broadcast_in_dim3A_275 = vector.shape_cast %get3A_274 : vector<256xf32> to vector<1x256xf32>
    %add3A_276 = vector.broadcast %broadcast_in_dim3A_275 : vector<1x256xf32> to vector<512x256xf32>
    %add3A_277 = arith.addf %dot_general3A_269, %add3A_276 : vector<512x256xf32>
    %gt3A_278 = arith.constant 0.000000e+00 : f32
    %gt3A_279 = vector.broadcast %gt3A_278 : f32 to vector<512x256xf32>
    %gt3A_280 = arith.cmpf ogt, %add3A_277, %gt3A_279 : vector<512x256xf32>
    %exp3A_281 = math.exp %add3A_277 : vector<512x256xf32>
    %sub3A_282 = arith.constant 1.000000e+00 : f32
    %sub3A_283 = vector.broadcast %sub3A_282 : f32 to vector<512x256xf32>
    %sub3A_284 = arith.subf %exp3A_281, %sub3A_283 : vector<512x256xf32>
    %select_n3A_285 = arith.select %gt3A_280, %add3A_277, %sub3A_284 : vector<512x256xi1>, vector<512x256xf32>
    %get3A_286 = arith.constant 4 : index
    %get3A_287 = arith.constant 0 : index
    %get3A_288 = arith.constant 0 : index
    %get3A_289 = arith.constant 0 : index
    %get3A_290 = vector.load %arg13[%get3A_286, %get3A_287, %get3A_288, %get3A_289] : memref<8x1x256x192xf32, #tpu.memory_space<vmem>>, vector<1x1x256x192xf32>
    %get3A_291 = vector.shape_cast %get3A_290 : vector<1x1x256x192xf32> to vector<256x192xf32>
    %dot_general3A_292 = arith.constant dense<0.000000e+00> : vector<512x192xf32>
    %dot_general3A_293 = tpu.matmul %select_n3A_285, %get3A_291, %dot_general3A_292 {dimension_numbers = #tpu.dot_dimension_numbers<[1], [0], [0], [1], [0, 0, 1, 1], [], []>, transpose_lhs_hint = false} : vector<512x256xf32>, vector<256x192xf32>, vector<512x192xf32> -> vector<512x192xf32>
    %get3A_294 = arith.constant 0 : index
    %get3A_295 = arith.constant 4 : index
    %get3A_296 = arith.constant 0 : index
    %get3A_297 = vector.load %arg14[%get3A_294, %get3A_295, %get3A_296] : memref<1x8x192xf32, #tpu.memory_space<vmem>>, vector<1x1x192xf32>
    %get3A_298 = vector.shape_cast %get3A_297 : vector<1x1x192xf32> to vector<192xf32>
    %broadcast_in_dim3A_299 = vector.shape_cast %get3A_298 : vector<192xf32> to vector<1x192xf32>
    %add3A_300 = vector.broadcast %broadcast_in_dim3A_299 : vector<1x192xf32> to vector<512x192xf32>
    %add3A_301 = arith.addf %dot_general3A_293, %add3A_300 : vector<512x192xf32>
    %gt3A_302 = arith.constant 0.000000e+00 : f32
    %gt3A_303 = vector.broadcast %gt3A_302 : f32 to vector<512x192xf32>
    %gt3A_304 = arith.cmpf ogt, %add3A_301, %gt3A_303 : vector<512x192xf32>
    %exp3A_305 = math.exp %add3A_301 : vector<512x192xf32>
    %sub3A_306 = arith.constant 1.000000e+00 : f32
    %sub3A_307 = vector.broadcast %sub3A_306 : f32 to vector<512x192xf32>
    %sub3A_308 = arith.subf %exp3A_305, %sub3A_307 : vector<512x192xf32>
    %select_n3A_309 = arith.select %gt3A_304, %add3A_301, %sub3A_308 : vector<512x192xi1>, vector<512x192xf32>
    %reshape3A_310 = vector.shape_cast %select_n3A_309 : vector<512x192xf32> to vector<64x8x192xf32>
    %swap3A_311 = arith.constant 0 : index
    %swap3A_312 = arith.constant 0 : index
    %swap3A_313 = arith.constant 4 : index
    %swap3A_314 = arith.constant 0 : index
    %swap3A_315 = vector.load %arg15[%swap3A_311, %swap3A_312, %swap3A_313, %swap3A_314] : memref<64x8x8x200xf32, #tpu.memory_space<vmem>>, vector<64x8x1x192xf32>
    %swap3A_316 = vector.shape_cast %swap3A_315 : vector<64x8x1x192xf32> to vector<64x8x192xf32>
    %swap3A_317 = vector.shape_cast %reshape3A_310 : vector<64x8x192xf32> to vector<64x8x1x192xf32>
    tpu.vector_store %arg15[%swap3A_311, %swap3A_312, %swap3A_313, %swap3A_314], %swap3A_317 {strides = array<i32>} : memref<64x8x8x200xf32, #tpu.memory_space<vmem>>, vector<64x8x1x192xf32>,
    %get3A_318 = arith.constant 5 : index
    %get3A_319 = arith.constant 0 : index
    %get3A_320 = arith.constant 0 : index
    %get3A_321 = arith.constant 0 : index
    %get3A_322 = vector.load %arg11[%get3A_318, %get3A_319, %get3A_320, %get3A_321] : memref<8x1x128x256xf32, #tpu.memory_space<vmem>>, vector<1x1x128x256xf32>
    %get3A_323 = vector.shape_cast %get3A_322 : vector<1x1x128x256xf32> to vector<128x256xf32>
    %dot_general3A_324 = arith.constant dense<0.000000e+00> : vector<512x256xf32>
    %dot_general3A_325 = tpu.matmul %reshape3A, %get3A_323, %dot_general3A_324 {dimension_numbers = #tpu.dot_dimension_numbers<[1], [0], [0], [1], [0, 0, 1, 1], [], []>, transpose_lhs_hint = false} : vector<512x128xf32>, vector<128x256xf32>, vector<512x256xf32> -> vector<512x256xf32>
    %get3A_326 = arith.constant 0 : index
    %get3A_327 = arith.constant 5 : index
    %get3A_328 = arith.constant 0 : index
    %get3A_329 = vector.load %arg12[%get3A_326, %get3A_327, %get3A_328] : memref<1x8x256xf32, #tpu.memory_space<vmem>>, vector<1x1x256xf32>
    %get3A_330 = vector.shape_cast %get3A_329 : vector<1x1x256xf32> to vector<256xf32>
    %broadcast_in_dim3A_331 = vector.shape_cast %get3A_330 : vector<256xf32> to vector<1x256xf32>
    %add3A_332 = vector.broadcast %broadcast_in_dim3A_331 : vector<1x256xf32> to vector<512x256xf32>
    %add3A_333 = arith.addf %dot_general3A_325, %add3A_332 : vector<512x256xf32>
    %gt3A_334 = arith.constant 0.000000e+00 : f32
    %gt3A_335 = vector.broadcast %gt3A_334 : f32 to vector<512x256xf32>
    %gt3A_336 = arith.cmpf ogt, %add3A_333, %gt3A_335 : vector<512x256xf32>
    %exp3A_337 = math.exp %add3A_333 : vector<512x256xf32>
    %sub3A_338 = arith.constant 1.000000e+00 : f32
    %sub3A_339 = vector.broadcast %sub3A_338 : f32 to vector<512x256xf32>
    %sub3A_340 = arith.subf %exp3A_337, %sub3A_339 : vector<512x256xf32>
    %select_n3A_341 = arith.select %gt3A_336, %add3A_333, %sub3A_340 : vector<512x256xi1>, vector<512x256xf32>
    %get3A_342 = arith.constant 5 : index
    %get3A_343 = arith.constant 0 : index
    %get3A_344 = arith.constant 0 : index
    %get3A_345 = arith.constant 0 : index
    %get3A_346 = vector.load %arg13[%get3A_342, %get3A_343, %get3A_344, %get3A_345] : memref<8x1x256x192xf32, #tpu.memory_space<vmem>>, vector<1x1x256x192xf32>
    %get3A_347 = vector.shape_cast %get3A_346 : vector<1x1x256x192xf32> to vector<256x192xf32>
    %dot_general3A_348 = arith.constant dense<0.000000e+00> : vector<512x192xf32>
    %dot_general3A_349 = tpu.matmul %select_n3A_341, %get3A_347, %dot_general3A_348 {dimension_numbers = #tpu.dot_dimension_numbers<[1], [0], [0], [1], [0, 0, 1, 1], [], []>, transpose_lhs_hint = false} : vector<512x256xf32>, vector<256x192xf32>, vector<512x192xf32> -> vector<512x192xf32>
    %get3A_350 = arith.constant 0 : index
    %get3A_351 = arith.constant 5 : index
    %get3A_352 = arith.constant 0 : index
    %get3A_353 = vector.load %arg14[%get3A_350, %get3A_351, %get3A_352] : memref<1x8x192xf32, #tpu.memory_space<vmem>>, vector<1x1x192xf32>
    %get3A_354 = vector.shape_cast %get3A_353 : vector<1x1x192xf32> to vector<192xf32>
    %broadcast_in_dim3A_355 = vector.shape_cast %get3A_354 : vector<192xf32> to vector<1x192xf32>
    %add3A_356 = vector.broadcast %broadcast_in_dim3A_355 : vector<1x192xf32> to vector<512x192xf32>
    %add3A_357 = arith.addf %dot_general3A_349, %add3A_356 : vector<512x192xf32>
    %gt3A_358 = arith.constant 0.000000e+00 : f32
    %gt3A_359 = vector.broadcast %gt3A_358 : f32 to vector<512x192xf32>
    %gt3A_360 = arith.cmpf ogt, %add3A_357, %gt3A_359 : vector<512x192xf32>
    %exp3A_361 = math.exp %add3A_357 : vector<512x192xf32>
    %sub3A_362 = arith.constant 1.000000e+00 : f32
    %sub3A_363 = vector.broadcast %sub3A_362 : f32 to vector<512x192xf32>
    %sub3A_364 = arith.subf %exp3A_361, %sub3A_363 : vector<512x192xf32>
    %select_n3A_365 = arith.select %gt3A_360, %add3A_357, %sub3A_364 : vector<512x192xi1>, vector<512x192xf32>
    %reshape3A_366 = vector.shape_cast %select_n3A_365 : vector<512x192xf32> to vector<64x8x192xf32>
    %swap3A_367 = arith.constant 0 : index
    %swap3A_368 = arith.constant 0 : index
    %swap3A_369 = arith.constant 5 : index
    %swap3A_370 = arith.constant 0 : index
    %swap3A_371 = vector.load %arg15[%swap3A_367, %swap3A_368, %swap3A_369, %swap3A_370] : memref<64x8x8x200xf32, #tpu.memory_space<vmem>>, vector<64x8x1x192xf32>
    %swap3A_372 = vector.shape_cast %swap3A_371 : vector<64x8x1x192xf32> to vector<64x8x192xf32>
    %swap3A_373 = vector.shape_cast %reshape3A_366 : vector<64x8x192xf32> to vector<64x8x1x192xf32>
    tpu.vector_store %arg15[%swap3A_367, %swap3A_368, %swap3A_369, %swap3A_370], %swap3A_373 {strides = array<i32>} : memref<64x8x8x200xf32, #tpu.memory_space<vmem>>, vector<64x8x1x192xf32>,
    %get3A_374 = arith.constant 6 : index
    %get3A_375 = arith.constant 0 : index
    %get3A_376 = arith.constant 0 : index
    %get3A_377 = arith.constant 0 : index
    %get3A_378 = vector.load %arg11[%get3A_374, %get3A_375, %get3A_376, %get3A_377] : memref<8x1x128x256xf32, #tpu.memory_space<vmem>>, vector<1x1x128x256xf32>
    %get3A_379 = vector.shape_cast %get3A_378 : vector<1x1x128x256xf32> to vector<128x256xf32>
    %dot_general3A_380 = arith.constant dense<0.000000e+00> : vector<512x256xf32>
    %dot_general3A_381 = tpu.matmul %reshape3A, %get3A_379, %dot_general3A_380 {dimension_numbers = #tpu.dot_dimension_numbers<[1], [0], [0], [1], [0, 0, 1, 1], [], []>, transpose_lhs_hint = false} : vector<512x128xf32>, vector<128x256xf32>, vector<512x256xf32> -> vector<512x256xf32>
    %get3A_382 = arith.constant 0 : index
    %get3A_383 = arith.constant 6 : index
    %get3A_384 = arith.constant 0 : index
    %get3A_385 = vector.load %arg12[%get3A_382, %get3A_383, %get3A_384] : memref<1x8x256xf32, #tpu.memory_space<vmem>>, vector<1x1x256xf32>
    %get3A_386 = vector.shape_cast %get3A_385 : vector<1x1x256xf32> to vector<256xf32>
    %broadcast_in_dim3A_387 = vector.shape_cast %get3A_386 : vector<256xf32> to vector<1x256xf32>
    %add3A_388 = vector.broadcast %broadcast_in_dim3A_387 : vector<1x256xf32> to vector<512x256xf32>
    %add3A_389 = arith.addf %dot_general3A_381, %add3A_388 : vector<512x256xf32>
    %gt3A_390 = arith.constant 0.000000e+00 : f32
    %gt3A_391 = vector.broadcast %gt3A_390 : f32 to vector<512x256xf32>
    %gt3A_392 = arith.cmpf ogt, %add3A_389, %gt3A_391 : vector<512x256xf32>
    %exp3A_393 = math.exp %add3A_389 : vector<512x256xf32>
    %sub3A_394 = arith.constant 1.000000e+00 : f32
    %sub3A_395 = vector.broadcast %sub3A_394 : f32 to vector<512x256xf32>
    %sub3A_396 = arith.subf %exp3A_393, %sub3A_395 : vector<512x256xf32>
    %select_n3A_397 = arith.select %gt3A_392, %add3A_389, %sub3A_396 : vector<512x256xi1>, vector<512x256xf32>
    %get3A_398 = arith.constant 6 : index
    %get3A_399 = arith.constant 0 : index
    %get3A_400 = arith.constant 0 : index
    %get3A_401 = arith.constant 0 : index
    %get3A_402 = vector.load %arg13[%get3A_398, %get3A_399, %get3A_400, %get3A_401] : memref<8x1x256x192xf32, #tpu.memory_space<vmem>>, vector<1x1x256x192xf32>
    %get3A_403 = vector.shape_cast %get3A_402 : vector<1x1x256x192xf32> to vector<256x192xf32>
    %dot_general3A_404 = arith.constant dense<0.000000e+00> : vector<512x192xf32>
    %dot_general3A_405 = tpu.matmul %select_n3A_397, %get3A_403, %dot_general3A_404 {dimension_numbers = #tpu.dot_dimension_numbers<[1], [0], [0], [1], [0, 0, 1, 1], [], []>, transpose_lhs_hint = false} : vector<512x256xf32>, vector<256x192xf32>, vector<512x192xf32> -> vector<512x192xf32>
    %get3A_406 = arith.constant 0 : index
    %get3A_407 = arith.constant 6 : index
    %get3A_408 = arith.constant 0 : index
    %get3A_409 = vector.load %arg14[%get3A_406, %get3A_407, %get3A_408] : memref<1x8x192xf32, #tpu.memory_space<vmem>>, vector<1x1x192xf32>
    %get3A_410 = vector.shape_cast %get3A_409 : vector<1x1x192xf32> to vector<192xf32>
    %broadcast_in_dim3A_411 = vector.shape_cast %get3A_410 : vector<192xf32> to vector<1x192xf32>
    %add3A_412 = vector.broadcast %broadcast_in_dim3A_411 : vector<1x192xf32> to vector<512x192xf32>
    %add3A_413 = arith.addf %dot_general3A_405, %add3A_412 : vector<512x192xf32>
    %gt3A_414 = arith.constant 0.000000e+00 : f32
    %gt3A_415 = vector.broadcast %gt3A_414 : f32 to vector<512x192xf32>
    %gt3A_416 = arith.cmpf ogt, %add3A_413, %gt3A_415 : vector<512x192xf32>
    %exp3A_417 = math.exp %add3A_413 : vector<512x192xf32>
    %sub3A_418 = arith.constant 1.000000e+00 : f32
    %sub3A_419 = vector.broadcast %sub3A_418 : f32 to vector<512x192xf32>
    %sub3A_420 = arith.subf %exp3A_417, %sub3A_419 : vector<512x192xf32>
    %select_n3A_421 = arith.select %gt3A_416, %add3A_413, %sub3A_420 : vector<512x192xi1>, vector<512x192xf32>
    %reshape3A_422 = vector.shape_cast %select_n3A_421 : vector<512x192xf32> to vector<64x8x192xf32>
    %swap3A_423 = arith.constant 0 : index
    %swap3A_424 = arith.constant 0 : index
    %swap3A_425 = arith.constant 6 : index
    %swap3A_426 = arith.constant 0 : index
    %swap3A_427 = vector.load %arg15[%swap3A_423, %swap3A_424, %swap3A_425, %swap3A_426] : memref<64x8x8x200xf32, #tpu.memory_space<vmem>>, vector<64x8x1x192xf32>
    %swap3A_428 = vector.shape_cast %swap3A_427 : vector<64x8x1x192xf32> to vector<64x8x192xf32>
    %swap3A_429 = vector.shape_cast %reshape3A_422 : vector<64x8x192xf32> to vector<64x8x1x192xf32>
    tpu.vector_store %arg15[%swap3A_423, %swap3A_424, %swap3A_425, %swap3A_426], %swap3A_429 {strides = array<i32>} : memref<64x8x8x200xf32, #tpu.memory_space<vmem>>, vector<64x8x1x192xf32>,
    %get3A_430 = arith.constant 7 : index
    %get3A_431 = arith.constant 0 : index
    %get3A_432 = arith.constant 0 : index
    %get3A_433 = arith.constant 0 : index
    %get3A_434 = vector.load %arg11[%get3A_430, %get3A_431, %get3A_432, %get3A_433] : memref<8x1x128x256xf32, #tpu.memory_space<vmem>>, vector<1x1x128x256xf32>
    %get3A_435 = vector.shape_cast %get3A_434 : vector<1x1x128x256xf32> to vector<128x256xf32>
    %dot_general3A_436 = arith.constant dense<0.000000e+00> : vector<512x256xf32>
    %dot_general3A_437 = tpu.matmul %reshape3A, %get3A_435, %dot_general3A_436 {dimension_numbers = #tpu.dot_dimension_numbers<[1], [0], [0], [1], [0, 0, 1, 1], [], []>, transpose_lhs_hint = false} : vector<512x128xf32>, vector<128x256xf32>, vector<512x256xf32> -> vector<512x256xf32>
    %get3A_438 = arith.constant 0 : index
    %get3A_439 = arith.constant 7 : index
    %get3A_440 = arith.constant 0 : index
    %get3A_441 = vector.load %arg12[%get3A_438, %get3A_439, %get3A_440] : memref<1x8x256xf32, #tpu.memory_space<vmem>>, vector<1x1x256xf32>
    %get3A_442 = vector.shape_cast %get3A_441 : vector<1x1x256xf32> to vector<256xf32>
    %broadcast_in_dim3A_443 = vector.shape_cast %get3A_442 : vector<256xf32> to vector<1x256xf32>
    %add3A_444 = vector.broadcast %broadcast_in_dim3A_443 : vector<1x256xf32> to vector<512x256xf32>
    %add3A_445 = arith.addf %dot_general3A_437, %add3A_444 : vector<512x256xf32>
    %gt3A_446 = arith.constant 0.000000e+00 : f32
    %gt3A_447 = vector.broadcast %gt3A_446 : f32 to vector<512x256xf32>
    %gt3A_448 = arith.cmpf ogt, %add3A_445, %gt3A_447 : vector<512x256xf32>
    %exp3A_449 = math.exp %add3A_445 : vector<512x256xf32>
    %sub3A_450 = arith.constant 1.000000e+00 : f32
    %sub3A_451 = vector.broadcast %sub3A_450 : f32 to vector<512x256xf32>
    %sub3A_452 = arith.subf %exp3A_449, %sub3A_451 : vector<512x256xf32>
    %select_n3A_453 = arith.select %gt3A_448, %add3A_445, %sub3A_452 : vector<512x256xi1>, vector<512x256xf32>
    %get3A_454 = arith.constant 7 : index
    %get3A_455 = arith.constant 0 : index
    %get3A_456 = arith.constant 0 : index
    %get3A_457 = arith.constant 0 : index
    %get3A_458 = vector.load %arg13[%get3A_454, %get3A_455, %get3A_456, %get3A_457] : memref<8x1x256x192xf32, #tpu.memory_space<vmem>>, vector<1x1x256x192xf32>
    %get3A_459 = vector.shape_cast %get3A_458 : vector<1x1x256x192xf32> to vector<256x192xf32>
    %dot_general3A_460 = arith.constant dense<0.000000e+00> : vector<512x192xf32>
    %dot_general3A_461 = tpu.matmul %select_n3A_453, %get3A_459, %dot_general3A_460 {dimension_numbers = #tpu.dot_dimension_numbers<[1], [0], [0], [1], [0, 0, 1, 1], [], []>, transpose_lhs_hint = false} : vector<512x256xf32>, vector<256x192xf32>, vector<512x192xf32> -> vector<512x192xf32>
    %get3A_462 = arith.constant 0 : index
    %get3A_463 = arith.constant 7 : index
    %get3A_464 = arith.constant 0 : index
    %get3A_465 = vector.load %arg14[%get3A_462, %get3A_463, %get3A_464] : memref<1x8x192xf32, #tpu.memory_space<vmem>>, vector<1x1x192xf32>
    %get3A_466 = vector.shape_cast %get3A_465 : vector<1x1x192xf32> to vector<192xf32>
    %broadcast_in_dim3A_467 = vector.shape_cast %get3A_466 : vector<192xf32> to vector<1x192xf32>
    %add3A_468 = vector.broadcast %broadcast_in_dim3A_467 : vector<1x192xf32> to vector<512x192xf32>
    %add3A_469 = arith.addf %dot_general3A_461, %add3A_468 : vector<512x192xf32>
    %gt3A_470 = arith.constant 0.000000e+00 : f32
    %gt3A_471 = vector.broadcast %gt3A_470 : f32 to vector<512x192xf32>
    %gt3A_472 = arith.cmpf ogt, %add3A_469, %gt3A_471 : vector<512x192xf32>
    %exp3A_473 = math.exp %add3A_469 : vector<512x192xf32>
    %sub3A_474 = arith.constant 1.000000e+00 : f32
    %sub3A_475 = vector.broadcast %sub3A_474 : f32 to vector<512x192xf32>
    %sub3A_476 = arith.subf %exp3A_473, %sub3A_475 : vector<512x192xf32>
    %select_n3A_477 = arith.select %gt3A_472, %add3A_469, %sub3A_476 : vector<512x192xi1>, vector<512x192xf32>
    %reshape3A_478 = vector.shape_cast %select_n3A_477 : vector<512x192xf32> to vector<64x8x192xf32>
    %swap3A_479 = arith.constant 0 : index
    %swap3A_480 = arith.constant 0 : index
    %swap3A_481 = arith.constant 7 : index
    %swap3A_482 = arith.constant 0 : index
    %swap3A_483 = vector.load %arg15[%swap3A_479, %swap3A_480, %swap3A_481, %swap3A_482] : memref<64x8x8x200xf32, #tpu.memory_space<vmem>>, vector<64x8x1x192xf32>
    %swap3A_484 = vector.shape_cast %swap3A_483 : vector<64x8x1x192xf32> to vector<64x8x192xf32>
    %swap3A_485 = vector.shape_cast %reshape3A_478 : vector<64x8x192xf32> to vector<64x8x1x192xf32>
    tpu.vector_store %arg15[%swap3A_479, %swap3A_480, %swap3A_481, %swap3A_482], %swap3A_485 {strides = array<i32>} : memref<64x8x8x200xf32, #tpu.memory_space<vmem>>, vector<64x8x1x192xf32>,
    return
  }
  func.func @transform_0(%arg0: i32, %arg1: memref<19xi32, #tpu.memory_space<smem>>, %arg2: memref<152xi32, #tpu.memory_space<smem>>) -> (i32, i32, i32, i32) {
    %mul3A = arith.constant 8 : i32
    %mul3A_0 = arith.muli %arg0, %mul3A : i32
    %add3A = arith.constant 0 : i32
    %add3A_1 = arith.addi %mul3A_0, %add3A : i32
    %get3A = arith.index_cast %add3A_1 : i32 to index
    %get3A_2 = memref.load %arg2[%get3A] : memref<152xi32, #tpu.memory_space<smem>>
    %c0_i32 = arith.constant 0 : i32
    %c0_i32_3 = arith.constant 0 : i32
    %c0_i32_4 = arith.constant 0 : i32
    %c0_i32_5 = arith.constant 0 : i32
    return %c0_i32, %get3A_2, %c0_i32_3, %c0_i32_4 : i32, i32, i32, i32
  }
  func.func @transform_1(%arg0: i32, %arg1: memref<19xi32, #tpu.memory_space<smem>>, %arg2: memref<152xi32, #tpu.memory_space<smem>>) -> (i32, i32, i32, i32) {
    %mul3A = arith.constant 8 : i32
    %mul3A_0 = arith.muli %arg0, %mul3A : i32
    %add3A = arith.constant 1 : i32
    %add3A_1 = arith.addi %mul3A_0, %add3A : i32
    %get3A = arith.index_cast %add3A_1 : i32 to index
    %get3A_2 = memref.load %arg2[%get3A] : memref<152xi32, #tpu.memory_space<smem>>
    %c0_i32 = arith.constant 0 : i32
    %c0_i32_3 = arith.constant 0 : i32
    %c0_i32_4 = arith.constant 0 : i32
    %c0_i32_5 = arith.constant 0 : i32
    return %c0_i32, %get3A_2, %c0_i32_3, %c0_i32_4 : i32, i32, i32, i32
  }
  func.func @transform_2(%arg0: i32, %arg1: memref<19xi32, #tpu.memory_space<smem>>, %arg2: memref<152xi32, #tpu.memory_space<smem>>) -> (i32, i32, i32, i32) {
    %mul3A = arith.constant 8 : i32
    %mul3A_0 = arith.muli %arg0, %mul3A : i32
    %add3A = arith.constant 2 : i32
    %add3A_1 = arith.addi %mul3A_0, %add3A : i32
    %get3A = arith.index_cast %add3A_1 : i32 to index
    %get3A_2 = memref.load %arg2[%get3A] : memref<152xi32, #tpu.memory_space<smem>>
    %c0_i32 = arith.constant 0 : i32
    %c0_i32_3 = arith.constant 0 : i32
    %c0_i32_4 = arith.constant 0 : i32
    %c0_i32_5 = arith.constant 0 : i32
    return %c0_i32, %get3A_2, %c0_i32_3, %c0_i32_4 : i32, i32, i32, i32
  }
  func.func @transform_3(%arg0: i32, %arg1: memref<19xi32, #tpu.memory_space<smem>>, %arg2: memref<152xi32, #tpu.memory_space<smem>>) -> (i32, i32, i32, i32) {
    %mul3A = arith.constant 8 : i32
    %mul3A_0 = arith.muli %arg0, %mul3A : i32
    %add3A = arith.constant 3 : i32
    %add3A_1 = arith.addi %mul3A_0, %add3A : i32
    %get3A = arith.index_cast %add3A_1 : i32 to index
    %get3A_2 = memref.load %arg2[%get3A] : memref<152xi32, #tpu.memory_space<smem>>
    %c0_i32 = arith.constant 0 : i32
    %c0_i32_3 = arith.constant 0 : i32
    %c0_i32_4 = arith.constant 0 : i32
    %c0_i32_5 = arith.constant 0 : i32
    return %c0_i32, %get3A_2, %c0_i32_3, %c0_i32_4 : i32, i32, i32, i32
  }
  func.func @transform_4(%arg0: i32, %arg1: memref<19xi32, #tpu.memory_space<smem>>, %arg2: memref<152xi32, #tpu.memory_space<smem>>) -> (i32, i32, i32, i32) {
    %mul3A = arith.constant 8 : i32
    %mul3A_0 = arith.muli %arg0, %mul3A : i32
    %add3A = arith.constant 4 : i32
    %add3A_1 = arith.addi %mul3A_0, %add3A : i32
    %get3A = arith.index_cast %add3A_1 : i32 to index
    %get3A_2 = memref.load %arg2[%get3A] : memref<152xi32, #tpu.memory_space<smem>>
    %c0_i32 = arith.constant 0 : i32
    %c0_i32_3 = arith.constant 0 : i32
    %c0_i32_4 = arith.constant 0 : i32
    %c0_i32_5 = arith.constant 0 : i32
    return %c0_i32, %get3A_2, %c0_i32_3, %c0_i32_4 : i32, i32, i32, i32
  }
  func.func @transform_5(%arg0: i32, %arg1: memref<19xi32, #tpu.memory_space<smem>>, %arg2: memref<152xi32, #tpu.memory_space<smem>>) -> (i32, i32, i32, i32) {
    %mul3A = arith.constant 8 : i32
    %mul3A_0 = arith.muli %arg0, %mul3A : i32
    %add3A = arith.constant 5 : i32
    %add3A_1 = arith.addi %mul3A_0, %add3A : i32
    %get3A = arith.index_cast %add3A_1 : i32 to index
    %get3A_2 = memref.load %arg2[%get3A] : memref<152xi32, #tpu.memory_space<smem>>
    %c0_i32 = arith.constant 0 : i32
    %c0_i32_3 = arith.constant 0 : i32
    %c0_i32_4 = arith.constant 0 : i32
    %c0_i32_5 = arith.constant 0 : i32
    return %c0_i32, %get3A_2, %c0_i32_3, %c0_i32_4 : i32, i32, i32, i32
  }
  func.func @transform_6(%arg0: i32, %arg1: memref<19xi32, #tpu.memory_space<smem>>, %arg2: memref<152xi32, #tpu.memory_space<smem>>) -> (i32, i32, i32, i32) {
    %mul3A = arith.constant 8 : i32
    %mul3A_0 = arith.muli %arg0, %mul3A : i32
    %add3A = arith.constant 6 : i32
    %add3A_1 = arith.addi %mul3A_0, %add3A : i32
    %get3A = arith.index_cast %add3A_1 : i32 to index
    %get3A_2 = memref.load %arg2[%get3A] : memref<152xi32, #tpu.memory_space<smem>>
    %c0_i32 = arith.constant 0 : i32
    %c0_i32_3 = arith.constant 0 : i32
    %c0_i32_4 = arith.constant 0 : i32
    %c0_i32_5 = arith.constant 0 : i32
    return %c0_i32, %get3A_2, %c0_i32_3, %c0_i32_4 : i32, i32, i32, i32
  }
  func.func @transform_7(%arg0: i32, %arg1: memref<19xi32, #tpu.memory_space<smem>>, %arg2: memref<152xi32, #tpu.memory_space<smem>>) -> (i32, i32, i32, i32) {
    %mul3A = arith.constant 8 : i32
    %mul3A_0 = arith.muli %arg0, %mul3A : i32
    %add3A = arith.constant 7 : i32
    %add3A_1 = arith.addi %mul3A_0, %add3A : i32
    %get3A = arith.index_cast %add3A_1 : i32 to index
    %get3A_2 = memref.load %arg2[%get3A] : memref<152xi32, #tpu.memory_space<smem>>
    %c0_i32 = arith.constant 0 : i32
    %c0_i32_3 = arith.constant 0 : i32
    %c0_i32_4 = arith.constant 0 : i32
    %c0_i32_5 = arith.constant 0 : i32
    return %c0_i32, %get3A_2, %c0_i32_3, %c0_i32_4 : i32, i32, i32, i32
  }
  func.func @transform_8(%arg0: i32, %arg1: memref<19xi32, #tpu.memory_space<smem>>, %arg2: memref<152xi32, #tpu.memory_space<smem>>) -> (i32, i32, i32, i32) {
    %get3A = arith.index_cast %arg0 : i32 to index
    %get3A_0 = memref.load %arg1[%get3A] : memref<19xi32, #tpu.memory_space<smem>>
    %c0_i32 = arith.constant 0 : i32
    %c0_i32_1 = arith.constant 0 : i32
    %c0_i32_2 = arith.constant 0 : i32
    %c0_i32_3 = arith.constant 0 : i32
    return %c0_i32, %get3A_0, %c0_i32_1, %c0_i32_2 : i32, i32, i32, i32
  }
  func.func @transform_9(%arg0: i32, %arg1: memref<19xi32, #tpu.memory_space<smem>>, %arg2: memref<152xi32, #tpu.memory_space<smem>>) -> (i32, i32, i32) {
    %get3A = arith.index_cast %arg0 : i32 to index
    %get3A_0 = memref.load %arg1[%get3A] : memref<19xi32, #tpu.memory_space<smem>>
    %c0_i32 = arith.constant 0 : i32
    %c0_i32_1 = arith.constant 0 : i32
    %c0_i32_2 = arith.constant 0 : i32
    return %get3A_0, %c0_i32, %c0_i32_1 : i32, i32, i32
  }
  func.func @transform_10(%arg0: i32, %arg1: memref<19xi32, #tpu.memory_space<smem>>, %arg2: memref<152xi32, #tpu.memory_space<smem>>) -> (i32, i32, i32, i32) {
    %get3A = arith.index_cast %arg0 : i32 to index
    %get3A_0 = memref.load %arg1[%get3A] : memref<19xi32, #tpu.memory_space<smem>>
    %c0_i32 = arith.constant 0 : i32
    %c0_i32_1 = arith.constant 0 : i32
    %c0_i32_2 = arith.constant 0 : i32
    %c0_i32_3 = arith.constant 0 : i32
    return %c0_i32, %get3A_0, %c0_i32_1, %c0_i32_2 : i32, i32, i32, i32
  }
  func.func @transform_11(%arg0: i32, %arg1: memref<19xi32, #tpu.memory_space<smem>>, %arg2: memref<152xi32, #tpu.memory_space<smem>>) -> (i32, i32, i32) {
    %get3A = arith.index_cast %arg0 : i32 to index
    %get3A_0 = memref.load %arg1[%get3A] : memref<19xi32, #tpu.memory_space<smem>>
    %c0_i32 = arith.constant 0 : i32
    %c0_i32_1 = arith.constant 0 : i32
    %c0_i32_2 = arith.constant 0 : i32
    return %get3A_0, %c0_i32, %c0_i32_1 : i32, i32, i32
  }
  func.func @transform_12(%arg0: i32, %arg1: memref<19xi32, #tpu.memory_space<smem>>, %arg2: memref<152xi32, #tpu.memory_space<smem>>) -> (i32, i32, i32, i32) {
    %c0_i32 = arith.constant 0 : i32
    %c0_i32_0 = arith.constant 0 : i32
    %c0_i32_1 = arith.constant 0 : i32
    %c0_i32_2 = arith.constant 0 : i32
    return %c0_i32, %arg0, %c0_i32_0, %c0_i32_1 : i32, i32, i32, i32
  }
}

</mosaic_0001>

<sc_bundles>
// kernel: sparse-core-data-format-call.cloned.1.call-start
scs
called_computation_lowered:
.L_overlay_start_0:
0x0: {  	s2 =	sld [smem:$0x3FD9]  }
0x1: {  	s3 =	sld [smem:$0x3FFE];
	_ =	sdelay $0x1  }
0x2: {  	s1 =	srdreg.scid  }
0x3: {  	s0 =	sand.u32 $0x1, s1  }
0x4: {  	s15 =	sshll.u32 s0, $0xA;
	s2 =	sadd.s32 s3, s2  }
0x5: {  	s2 =	sadd.s32 s2, s15  }
0x6: {  	[smem:$0x3FC2] =	sst s2  }
0x7: {  	_ = 	snop  }
0x8: {  	s2 =	sld [smem:$0x3FD0];
	_ =	sdelay $0x2  }
0x9: {  	s16 =	simm.s32 $0xA;
	s4 =	simm.s32 $0x10  }
0xa: {  	[smem:s4], [sflag:s16] =	dma.local [hbm:s2], $0x1  }
0xb: {  	_ =	swait.eq [sflag:s16], $0x1  }
0xc: {  	[sflag:s16] =	ssyncset.done $0x0  }
0xd: {  	[sflag:s16] =	ssyncadd.s32 $0xFFFFFFFF  }
0xe: {  	s17 =	sld [smem:$0x11];
	(tm) =	ssettm $0x1  }
0xf: {  	s18 =	sld [smem:$0x3FFB];
	_ =	sdelay $0x3  }
0x10: {  	_ =	strace s18  }
0x11: {  	s3 =	sld [smem:$0x3FFC];
	_ =	sdelay $0x3  }
0x12: {  	_ =	strace s3  }
0x13: {  	s3 =	sld [smem:$0x3FFD];
	_ =	sdelay $0x3  }
0x14: {  	_ =	strace s3  }
0x15: {  	_ =	strace $0x8FFFFFFF  }
0x16: {  	s19 =	sld [smem:$0x3FDB];
	_ =	sdelay $0x1  }
0x17: {  	s20 =	simm.s32 $_scs_section_size  }
0x18: {  	s5 =	simm.s32 $_size__tile_overlayer_lowered;
	s6 =	simm.s32 $_tile_overlayer_lowered  }
0x19: {  	s23 =	simm.s32 $0x1BFF;
	s22 =	sshll.u32 s6, $0x1;
	s3 =	sadd.s32 s20, s19  }
0x1a: {  	s7 =	simm.s32 $0x0;
	s21 =	sshll.u32 s5, $0x1;
	s5 =	sadd.s32 s22, s3  }
0x1b: {  	[timem:s7], [sflag:s23] =	dma.local [hbm:s5], s21  }
0x1c: {  	_ =	swait.ge [sflag:s23], s21  }
0x1d: {  	s4 =	ssub.s32 $0x0, s21;
	[sflag:s23] =	ssyncset.done $0x0  }
0x1e: {  	[sflag:s23] =	ssyncadd.s32 s4;
	_ =	sdelay $0x1  }
0x1f: {  	s24 =	simm.s32 $0x1B8B  }
0x20: {  	_ =	swait.ge [sflag:s24], $0x1  }
0x21: {  	[sflag:s24] =	ssyncset.done $0x0  }
0x22: {  	s26 =	simm.s32 $0x1B8E;
	s25 =	sld [smem:$0x3FFE];
	[sflag:s24] =	ssyncadd.s32 $0xFFFFFFFF  }
0x23: {  	s27 =	simm.s32 $execute0_lowered;
	[smem:$0x3FD2] =	sst s26  }
0x24: {  	s5 =	sshll.u32 s27, $0x1;
	_ =	strace $0x80000046;
	[dreg:$0x1] =	wrdreg $0xFFFFFFFF  }
0x25: {  	s28 =	simm.s32 $_size_execute0_lowered;
	s3 =	sadd.s32 s3, s5;
	[dreg:$0x0] =	wrdreg $0x0  }
0x26: {  	s5 =	sshll.u32 s28, $0x1;
	[dreg:$0x2] =	wrdreg s3  }
0x27: {  	[dreg:$0x3] =	wrdreg s5  }
0x28: {  	[dreg:$0x4] =	wrdreg $0xC0  }
0x29: {  	_ =	task [dreg:s7], $0x5FFFF  }
0x2a: {  	[dreg:$0x1] =	wrdreg $0xFFFFFFFF  }
0x2b: {  	[dreg:$0x0] =	wrdreg $0x60  }
0x2c: {  	[dreg:$0x2] =	wrdreg s25  }
0x2d: {  	[dreg:$0x3] =	wrdreg s17  }
0x2e: {  	[dreg:$0x4] =	wrdreg $0x9  }
0x2f: {  	_ =	task.clear_ibuf [dreg:s7], $0x5FFFF;
	_ =	strace $0x90000046  }
0x30: {  	s29 =	simm.s32 $0x9;
	_ =	strace $0x80000048  }
0x31: {  	_ =	swait.ge [sflag:s29], $0x1  }
0x32: {  	[sflag:s29] =	ssyncadd.s32 $0xFFFFFFFF  }
0x33: {  	_ =	strace $0x90000048  }
0x34: {  	_ =	sfence  }
0x35: {  	s30 =	sld [smem:$0x0];
	_ =	sdelay $0x2  }
0x36: {  	s31 =	sshll.u32 s1, $0xD;
	s1 =	sshrl.u32 s1, $0x2  }
0x37: {  	s3 =	sand.u32 $0x4000, s31;
	s1 =	sadd.s32 s1, s30  }
0x38: {  	s0 =	sor.u32 s3, s0;
	s1 =	sshll.u32 s1, $0x11  }
0x39: {  	s0 =	sor.u32 s1, s0  }
0x3a: {  	s0 =	sadd.s32 $0x8F2B, s0  }
0x3b: {  	[sflag:s0] =	ssyncadd.remote.s32 $0x1  }
0x3c: {  	_ =	sfence.sel $0xFFFF  }
0x3d: {  	[dreg:$0x0] =	wrdreg $0xFFFFFFFF;
	(pc) =	sbr.abs _section_cstart, $3  }
0x3e: {  	[dreg:$0x1] =	wrdreg $0xFFFFFFFF  }
0x3f: {  	_ =	task.clear_ibuf [dreg:s7], $0x2FFFF;
	_ =	strace $0x9FFFFFFF  }
0x40: {  	(tm) =	ssettm $0x7FFFFFFF  }
0x41: {  	_ =	shalt  }
tec
execute0_lowered:
.L_overlay_start_1:
0x0: {  	(tag) =	ssettag $0x1  }
0x1: {  	s1 =	rddreg [dreg:$0x0]  }
0x2: {  	s2 =	rddreg [dreg:$0x1]  }
0x3: {  	s0 =	rddreg [dreg:$0x2];
	_ =	strace $0x80000047;
	s4 =	srdreg.scid  }
0x4: {  	s6 =	simm.s32 $0x2;
	s15 =	simm.s32 $0x0;
	p0 =	por $0x0, $0x0  }
0x5: {  	s17 =	simm.s32 $0x0;
	s18 =	simm.s32 $0x0;
	s16 =	simm.s32 $0x0  }
0x6: {  	s7 =	simm.s32 $0x0;
	s9 =	simm.s32 $0x0;
	s10 =	simm.s32 $0x0  }
.Ltmp0:
0x7: {  	s11 =	simm.s32 $0x0;
	s12 =	simm.s32 $0x0;
	(pc) =	sbr.rel .LBB1_1-.Ltmp0, $4  }
0x8: {  	s14 =	simm.s32 $0x0;
	s3 =	sadd.s32 $0x260000, s1;
	s5 =	sshll.u32 s4, $0x4  }
0x9: {  	s1 =	stileid.u32;
	s4 =	simm.s32 $0x1;
	s5 =	sand.u32 $0x10, s5  }
0xa: {  	s8 =	simm.s32 $0x0;
	[sflag:s4] =	ssyncpa.u1 $0x0;
	s5 =	sor.u32 s1, s5  }
0xb: {  	[sflag:s6] =	ssyncpa.u1 $0x0;
	s6 =	simm.s32 $0x0;
	s13 =	smov.u32 s5  }
.LBB1_5:
0xc: {  	p1 =	slt.u32 s8, $0x2;
	s19 =	smov.u32 s18  }
0xd: {  	s22 =	smov.u32 s14;
	s8 =	sadd.s32 $0x1, s8;
	p2 =	sgt.s32 @!p1 s18, $0x3F  }
0xe: {  	p0 =	por !p0, !p0;
	s20 =	sshra.s32 @!p1 s18, $0x1F;
	p2 =	por !p2, p1  }
0xf: {  	s21 =	sshra.s32 @!p1 s17, $0x1F;
	s19 =	simm.s32 @p2 $0x3F;
	p2 =	sgt.s32 @!p1 s17, $0x7  }
0x10: {  	s18 =	sand.u32 @!p1 s20, s18;
	s20 =	smov.u32 s17;
	p2 =	por !p2, p1  }
0x11: {  	s17 =	sand.u32 @!p1 s21, s17;
	s18 =	ssub.s32 @!p1 s19, s18;
	s20 =	simm.s32 @p2 $0x7  }
0x12: {  	s21 =	smov.u32 s13;
	s19 =	sadd.s32 @!p1 $0xFFFFFFC1, s18;
	s17 =	ssub.s32 @!p1 s20, s17  }
0x13: {  	s18 =	ssub.s32 @!p1 $0x40, s18;
	p2 =	sgt.s32 @!p1 s19, $0x0;
	s19 =	sadd.s32 @!p1 $0xFFFFFFF9, s17  }
0x14: {  	s20 =	smov.u32 s15;
	p2 =	por !p2, p1;
	p3 =	sgt.s32 @!p1 s19, $0x0  }
0x15: {  	s17 =	ssub.s32 @!p1 $0x8, s17;
	s18 =	simm.s32 @!p2 $0x0;
	p2 =	por !p3, p1  }
0x16: {  	s19 =	ssub.s32 @!p1 $0x0, s16;
	s17 =	simm.s32 @!p2 $0x0;
	p2 =	sgt.s32 @!p1 s15, $0x48  }
0x17: {  	s16 =	smin.u32 @!p1 s16, s19;
	s19 =	sshra.s32 @!p1 s15, $0x1F;
	p2 =	por !p2, p1  }
0x18: {  	s15 =	sand.u32 @!p1 s19, s15;
	s20 =	simm.s32 @p2 $0x48;
	p2 =	sgt.s32 @!p1 s16, $0x7F  }
0x19: {  	s16 =	ssub.s32 @!p1 $0x80, s16;
	s15 =	ssub.s32 @!p1 s20, s15;
	p2 =	por !p2, p1  }
0x1a: {  	s20 =	sadd.s32 $0x80, s11;
	s19 =	sadd.s32 @!p1 $0xFFFFFFB8, s15;
	s16 =	simm.s32 @!p2 $0x0  }
0x1b: {  	p2 =	sgt.s32 s20, $0xC7;
	s16 =	smul.u32 @!p1 s16, s18;
	s18 =	simm.s32 $0x1  }
0x1c: {  	s15 =	ssub.s32 @!p1 $0xC8, s15;
	p3 =	sgt.s32 @!p1 s19, $0x7F;
	s18 =	simm.s32 @!p2 $0x0  }
0x1d: {  	p3 =	por !p3, p1;
	s16 =	smul.u32 @!p1 s17, s16;
	s19 =	sadd.s32 s18, s12  }
0x1e: {  	s15 =	simm.s32 @!p3 $0x0;
	s17 =	sadd.s32 $0x20, s13;
	p3 =	sgt.s32 s19, $0x7  }
0x1f: {  	s23 =	simm.s32 @!p1 $0x2;
	s20 =	simm.s32 @p2 $0x0;
	s21 =	smov.u32 @p3 s17  }
0x20: {  	s15 =	smul.u32 @!p1 s15, s16;
	s16 =	sadd.s32 $0x80, s14;
	p2 =	sgt.s32 s21, $0x3F  }
0x21: {  	s18 =	smov.u32 s9;
	s9 =	smov.u32 s13;
	s22 =	smov.u32 @p2 s16  }
0x22: {  	s19 =	simm.s32 @p3 $0x0;
	s21 =	smov.u32 @p2 s5;
	p2 =	sgt.s32 s22, $0x7F  }
0x23: {  	s17 =	smov.u32 s7;
	s22 =	simm.s32 @p2 $0x0;
	p2 =	sne.s32 s8, $0x22  }
.Ltmp1:
0x24: {  	s7 =	smov.u32 s12;
	s12 =	smov.u32 s19;
	(pc) =	sbr.rel @!p2 .LBB1_6-.Ltmp1, $4  }
0x25: {  	s15 =	sand.u32 @!p1 $0x3FFFFFFF, s15;
	s16 =	smov.u32 s10;
	s10 =	smov.u32 s14  }
0x26: {  	_ =	swait.ge @!p1 [sflag:s23], s15;
	s24 =	ssub.s32 @!p1 $0x0, s15;
	s15 =	smov.u32 s6  }
0x27: {  	s6 =	smov.u32 s11;
	s11 =	smov.u32 s20;
	[sflag:s23] =	ssyncset.done @!p1 $0x0  }
0x28: {  	s13 =	smov.u32 s21;
	[sflag:s23] =	ssyncadd.s32 @!p1 s24;
	s14 =	smov.u32 s22  }
.LBB1_1:
0x29: {  	p1 =	sgt.u32 s8, $0x1F  }
0x2a: {  	s19 =	sxor.u32 @!p1 $0xFFFFFFFF, s8;
	s20 =	sshll.u32 @!p1 s11, $0x3  }
0x2b: {  	s21 =	sshll.u32 @!p1 s12, $0x7;
	s22 =	sand.u32 @!p1 $0x78, s11;
	s23 =	sshll.u32 @!p1 s14, $0xE  }
0x2c: {  	s24 =	sshll.u32 @!p1 s13, $0x8;
	s19 =	sshll.u32 @!p1 s19, $0xE;
	s21 =	sand.u32 @!p1 $0x380, s21  }
0x2d: {  	s20 =	sand.u32 @!p1 $0x400, s20;
	s19 =	sand.u32 @!p1 $0x4000, s19;
	s21 =	sor.u32 @!p1 s22, s21  }
0x2e: {  	s22 =	sand.u32 @!p1 $0x7, s11;
	s20 =	sor.u32 @!p1 s20, s21;
	s21 =	sadd.s32 @!p1 s3, s23  }
0x2f: {  	s22 =	sshll.u32 @!p1 s22, $0x12;
	s20 =	sshrl.u32 @!p1 s20, $0x3;
	s21 =	sadd.s32 @!p1 s24, s21  }
0x30: {  	s20 =	sadd.s32 @!p1 s20, s21;
	s21 =	sor.u32 @!p1 $0x80, s22;
	s22 =	simm.s32 @!p1 $0x20000  }
0x31: {  	[tilespmem:s19], [sflag:$0x1] =	stream.strided.gather @!p1 [hbm4b:s20+s21], $0x4000, s22, s21, $0x38;
	[tilespmem:$0x10100] =	vst v63  }
0x32: {  	p1 =	seq.s32 s8, $0x0  }
0x33: {  	p2 =	seq.s32 @!p1 s8, $0x21  }
0x34: {  	p1 =	por p1, p2  }
.Ltmp2:
0x35: {  	_ = 	snop;
	(pc) =	sbr.rel @p1 .LBB1_5-.Ltmp2, $1  }
0x36: {  	_ =	sdelay $0x3  }
0x37: {  	s19 =	simm.s32 $0x1  }
0x38: {  	_ =	swait.ge [sflag:s4], $0x4000;
	s19 =	simm.s32 @!p0 $0x0  }
0x39: {  	[sflag:s4] =	ssyncset.done $0x0;
	s20 =	sshll.u32 s19, $0xE  }
0x3a: {  	[sflag:s4] =	ssyncadd.s32 $0xFFFFC000;
	s20 =	sor.u32 $0x40, s20  }
0x3b: {  	s19 =	smul.u32 $0x10200, s19;
	v0 =	vld [tilespmem:s20+$0x30]  }
0x3c: {  	v1 =	vld [tilespmem:s20+$0xFFFFFFD0]  }
0x3d: {  	s19 =	sshrl.u32 s19, $0x2;
	v5 =	vld [tilespmem:s20+$0xFFFFFFE0]  }
0x3e: {  	v6 =	vld [tilespmem:s20+$0xFFFFFFF0];
	s22 =	sor.u32 $0x8000, s19  }
0x3f: {  	s31 =	sand.u32 $0x1, s8;
	v4 =	vld [tilespmem:s20+$0x0];
	s21 =	sadd.s32 $0x0, s22  }
0x40: {  	v3 =	vld [tilespmem:s20+$0x10];
	s19 =	smul.u32 $0x10200, s31;
	[tilespmem:s21+$0x3870 ss:$0x81] =	vst.msk $0xffff, v0  }
0x41: {  	v2 =	vld [tilespmem:s20+$0x20];
	[tilespmem:s21+$0x810 ss:$0x81] =	vst.msk $0xffff, v1  }
0x42: {  	s19 =	sshrl.u32 s19, $0x2;
	v1 =	vld [tilespmem:s20+$0xFFFFFFC0];
	[tilespmem:s21+$0x1020 ss:$0x81] =	vst.msk $0xffff, v5;
	s20 =	sadd.s32 $0x80, s20  }
0x43: {  	s23 =	simm.s32 $0x4;
	s24 =	simm.s32 $0x8;
	s19 =	sor.u32 $0x8000, s19;
	[tilespmem:s21+$0x1830 ss:$0x81] =	vst.msk $0xffff, v6;
	v0 =	vld [tilespmem:s20+$0x30]  }
.LBB1_3:
0x44: {  	p1 =	sne.s32 s24, $0x1FC;
	v5 =	vld [tilespmem:s20+$0xFFFFFFD0];
	[tilespmem:s21+$0x2040 ss:$0x81] =	vst.msk $0xffff, v4  }
0x45: {  	v6 =	vld [tilespmem:s20+$0xFFFFFFE0];
	[tilespmem:s21+$0x2850 ss:$0x81] =	vst.msk $0xffff, v3  }
0x46: {  	s25 =	sshra.s32 s23, $0x2;
	s23 =	smov.u32 s24;
	v7 =	vld [tilespmem:s20+$0xFFFFFFF0];
	[tilespmem:s21+$0x3060 ss:$0x81] =	vst.msk $0xffff, v2  }
.Ltmp3:
0x47: {  	v4 =	vld [tilespmem:s20+$0x0];
	[tilespmem:s21+$0x0 ss:$0x81] =	vst.msk $0xffff, v1;
	s21 =	sadd.s32 s25, s22;
	(pc) =	sbr.rel @p1 .LBB1_3-.Ltmp3, $4  }
0x48: {  	v3 =	vld [tilespmem:s20+$0x10];
	[tilespmem:s21+$0x3870 ss:$0x81] =	vst.msk $0xffff, v0  }
0x49: {  	[tilespmem:s21+$0x810 ss:$0x81] =	vst.msk $0xffff, v5;
	v2 =	vld [tilespmem:s20+$0x20]  }
0x4a: {  	v1 =	vld [tilespmem:s20+$0xFFFFFFC0];
	[tilespmem:s21+$0x1020 ss:$0x81] =	vst.msk $0xffff, v6;
	s20 =	sadd.s32 $0x80, s20  }
0x4b: {  	s24 =	sadd.s32 $0x4, s24;
	v0 =	vld [tilespmem:s20+$0x30];
	[tilespmem:s21+$0x1830 ss:$0x81] =	vst.msk $0xffff, v7  }
0x4c: {  	s24 =	sshll.u32 s6, $0x7  }
0x4d: {  	s25 =	sshll.u32 s10, $0x3;
	s23 =	sshra.s32 s23, $0x2;
	p1 =	sgt.s32 s9, $0x3F  }
0x4e: {  	s27 =	sshra.s32 s9, $0x1F;
	p2 =	sgt.s32 s7, $0x7;
	s28 =	sshra.s32 s7, $0x1F  }
0x4f: {  	s30 =	sshra.s32 s6, $0x1F;
	s31 =	ssub.s32 $0x0, s10;
	s26 =	sand.u32 $0xFFFFFC00, s24  }
0x50: {  	s25 =	sand.u32 $0xFFFFFC00, s25;
	s24 =	sand.u32 $0x380, s24;
	s27 =	sand.u32 s27, s9  }
0x51: {  	s22 =	sadd.s32 s23, s22;
	s25 =	sadd.s32 s25, s26;
	s26 =	smov.u32 s9  }
0x52: {  	s29 =	sand.u32 s28, s7;
	s24 =	sor.u32 s24, s25;
	s26 =	simm.s32 @!p1 $0x3F  }
0x53: {  	s23 =	sshrl.u32 s24, $0x7;
	s24 =	ssub.s32 s26, s27;
	s26 =	smov.u32 s7  }
0x54: {  	s27 =	sand.u32 s30, s6;
	s25 =	sadd.s32 $0xFFFFFFC1, s24;
	s26 =	simm.s32 @!p2 $0x7  }
0x55: {  	p2 =	sgt.s32 s6, $0x48;
	s24 =	ssub.s32 $0x40, s24;
	p1 =	sgt.s32 s25, $0x0  }
0x56: {  	v5 =	vld [tilespmem:s20+$0xFFFFFFD0];
	[tilespmem:s21+$0x2040 ss:$0x81] =	vst.msk $0xffff, v4;
	s25 =	ssub.s32 s26, s29;
	s26 =	smov.u32 s6;
	s29 =	smulhi.u32 $0x147AE15, s23  }
0x57: {  	v58 =	vld [tilespmem:s20+$0xFFFFFFE0];
	[tilespmem:s21+$0x2850 ss:$0x81] =	vst.msk $0xffff, v3;
	s28 =	sadd.s32 $0xFFFFFFF9, s25;
	s26 =	simm.s32 @!p2 $0x48;
	s24 =	simm.s32 @p1 $0x0  }
0x58: {  	v59 =	vld [tilespmem:s20+$0xFFFFFFF0];
	[tilespmem:s21+$0x3060 ss:$0x81] =	vst.msk $0xffff, v2;
	s25 =	ssub.s32 $0x8, s25;
	s26 =	ssub.s32 s26, s27;
	s27 =	smin.u32 s10, s31  }
0x59: {  	v60 =	vld [tilespmem:s20+$0x0];
	[tilespmem:s21+$0x0 ss:$0x81] =	vst.msk $0xffff, v1;
	s30 =	smul.u32 $0xC8, s29;
	p1 =	sgt.s32 s27, $0x7F;
	s21 =	ssub.s32 $0x80, s27  }
0x5a: {  	v61 =	vld [tilespmem:s20+$0x10];
	[tilespmem:s22+$0x3870 ss:$0x81] =	vst.msk $0xffff, v0;
	p2 =	sgt.s32 s28, $0x0;
	s29 =	smul.u32 $0xC80, s7;
	s21 =	simm.s32 @p1 $0x0  }
0x5b: {  	v62 =	vld [tilespmem:s20+$0x20];
	[tilespmem:s22+$0x810 ss:$0x81] =	vst.msk $0xffff, v5;
	s25 =	simm.s32 @p2 $0x0;
	s31 =	sadd.s32 $0xFFFFFFB8, s26;
	s21 =	smul.u32 s21, s24  }
0x5c: {  	v63 =	vld [tilespmem:s20+$0xFFFFFFC0];
	[tilespmem:s22+$0x1020 ss:$0x81] =	vst.msk $0xffff, v58;
	s20 =	ssub.s32 $0xC8, s26;
	s26 =	smul.u32 $0x6400, s9;
	p1 =	sgt.s32 s31, $0x7F  }
0x5d: {  	[tilespmem:s22+$0x1830 ss:$0x81] =	vst.msk $0xffff, v59;
	s28 =	sshrl.u32 s10, $0x3;
	s20 =	simm.s32 @p1 $0x0;
	s21 =	smul.u32 s25, s21  }
.Ltmp4:
0x5e: {  	[tilespmem:s22+$0x2040 ss:$0x81] =	vst.msk $0xffff, v60;
	s24 =	sadd.s32 s2, s26;
	s25 =	sand.u32 $0xF, s28;
	(pc) =	sbr.rel .LBB1_5-.Ltmp4, $4  }
0x5f: {  	[tilespmem:s22+$0x2850 ss:$0x81] =	vst.msk $0xffff, v61;
	s23 =	ssub.s32 s23, s30;
	s30 =	sadd.s32 s25, s24;
	s20 =	smul.u32 s20, s21  }
0x60: {  	[tilespmem:s22+$0x3060 ss:$0x81] =	vst.msk $0xffff, v62;
	s23 =	sshll.u32 s23, $0x4;
	s21 =	sadd.s32 s29, s30  }
0x61: {  	[tilespmem:s22+$0x0 ss:$0x81] =	vst.msk $0xffff, v63;
	s31 =	sand.u32 $0x7, s10;
	s21 =	sadd.s32 s23, s21;
	s20 =	sand.u32 $0x3FFFFFFF, s20  }
0x62: {  	[hbm4b:s21+s31] =	stream.linear.scatter [tilespmem:s19], [sflag:$0x2], s20, $0x20;
	[tilespmem:$0x10100] =	vst v63  }
.LBB1_6:
0x63: {  	_ =	sfence.sel $0x180000  }
0x64: {  	s2 =	simm.s32 $0x1;
	[bflag:$0x0] =	sbarrier.arrive $0xFFFF  }
0x65: {  	s31 =	simm.s32 $0x2;
	[sflag:s2] =	ssyncpa.u1 $0x1  }
0x66: {  	[sflag:s31] =	ssyncpa.u1 $0x1  }
0x67: {  	p0 =	sne.s32 s1, $0x0;
	_ =	strace $0x90000047  }
0x68: {  	s0 =	sadd.s32 @!p0 $0x100000, s0;
	[bflag:$0x2] =	sbarrier.arrive $0xFFFF  }
0x69: {  	[sflag:s0] =	ssyncadd.tile.s32 @!p0 $0x1;
	_ =	shalt  }
.Lfunc_end1:
_tile_overlayer_lowered:
.L_overlay_start_2:
0x6a: {  	(tag) =	ssettag $0x2  }
0x6b: {  	s0 =	rddreg [dreg:$0x0];
	s2 =	stileid.u32  }
0x6c: {  	s1 =	rddreg [dreg:$0x1];
	p0 =	sne.s32 s2, $0x0  }
0x6d: {  	s3 =	rddreg [dreg:$0x2];
	[bflag:$0x3] =	sbarrier.arrive $0xFFFF;
	s2 =	simm.s32 @!p0 $0x1C01  }
0x6e: {  	[timem:s3], [sflag:s2] =	dma.local @!p0 [hbm:s0], s1  }
0x6f: {  	s0 =	simm.s32 @!p0 $0x1  }
0x70: {  	_ =	swait.ge @!p0 [sflag:s0], s1  }
0x71: {  	s1 =	ssub.s32 @!p0 $0x0, s1;
	[sflag:s0] =	ssyncset.done @!p0 $0x0  }
0x72: {  	[sflag:s0] =	ssyncadd.s32 @!p0 s1  }
0x73: {  	[bflag:$0x3] =	sbarrier.arrive $0xFFFF  }
0x74: {  	_ =	shalt  }

</sc_bundles>
